<compile_context>
chip_gen: v7x
topology: tpu7x:2x2x1
jax: 0.10.2.dev20260603
libtpu: 0.0.44.dev20260713+nightly
codegen_flags: <defaults>
</compile_context>

<pallas_src>
import jax
import jax.numpy as jnp
import numpy as np
from jax import lax
from jax.experimental import pallas as pl
from jax.experimental.pallas import tpu as pltpu
from jax.experimental.pallas import tpu_sc as plsc

_W = 0.5
_N = 10000
_D = 128
_E = 320000
_NC = 2
_NS = 16
_NW = _NC * _NS
_CHUNK = 128
_CPW = 80
_EPAD = _NW * _CPW * _CHUNK
_ACC_ROWS = 10240


def _agg_body(x_hbm, ep_hbm, ones_hbm, zra_hbm, zrc_hbm,
              sum_hbm, cnt_hbm,
              ep_v, src_a, dst_a, src_b, dst_b, rows_a, rows_b, ones_v, zc_v,
              acc_sh, cnt_sh, sem_a, sem_b, sem_p):
    c = lax.axis_index("c")
    s = lax.axis_index("s")
    w = s * _NC + c

    pltpu.sync_copy(zra_hbm, rows_a)
    pltpu.sync_copy(zrc_hbm, zc_v)
    r0 = s * 640
    for k in range(5):
        pltpu.async_copy(rows_a, acc_sh.at[pl.ds(r0 + k * 128, 128)], sem_p)
        pltpu.async_copy(zc_v, cnt_sh.at[pl.ds(r0 + k * 128, 128)], sem_p)
    pltpu.sync_copy(ep_hbm.at[pl.ds(w * _CPW, _CPW)], ep_v)
    pltpu.sync_copy(ones_hbm, ones_v)
    for k in range(5):
        pltpu.make_async_copy(rows_a, acc_sh.at[pl.ds(r0, 128)], sem_p).wait()
        pltpu.make_async_copy(zc_v, cnt_sh.at[pl.ds(r0, 128)], sem_p).wait()
    plsc.subcore_barrier()

    def unpack(i, src_c, dst_c):
        for j in range(_CHUNK // 16):
            p = ep_v[i, pl.ds(j * 16, 16)]
            src_c[pl.ds(j * 16, 16)] = jnp.bitwise_and(p, 16383)
            dst_c[pl.ds(j * 16, 16)] = jnp.right_shift(p, 14)

    def consume(src_c, rows_v, dst_c, sem):
        pltpu.make_async_copy(x_hbm.at[src_c], rows_v, sem).wait()
        pltpu.sync_copy(rows_v, acc_sh.at[dst_c], add=True)
        pltpu.sync_copy(ones_v, cnt_sh.at[dst_c], add=True)

    unpack(0, src_a, dst_a)
    pltpu.async_copy(x_hbm.at[src_a], rows_a, sem_a)

    def body(t, carry):
        i = 2 * t
        unpack(i + 1, src_b, dst_b)
        pltpu.async_copy(x_hbm.at[src_b], rows_b, sem_b)
        consume(src_a, rows_a, dst_a, sem_a)
        unpack(i + 2, src_a, dst_a)
        pltpu.async_copy(x_hbm.at[src_a], rows_a, sem_a)
        consume(src_b, rows_b, dst_b, sem_b)
        return carry
    lax.fori_loop(0, _CPW // 2 - 1, body, 0)

    unpack(_CPW - 1, src_b, dst_b)
    pltpu.async_copy(x_hbm.at[src_b], rows_b, sem_b)
    consume(src_a, rows_a, dst_a, sem_a)
    consume(src_b, rows_b, dst_b, sem_b)

    plsc.subcore_barrier()

    for k in range(5):
        pltpu.async_copy(acc_sh.at[pl.ds(r0 + k * 128, 128)],
                         sum_hbm.at[c, pl.ds(r0 + k * 128, 128)], sem_p)
        pltpu.async_copy(cnt_sh.at[pl.ds(r0 + k * 128, 128)],
                         cnt_hbm.at[c, pl.ds(r0 + k * 128, 128)], sem_p)
    for k in range(5):
        pltpu.make_async_copy(acc_sh.at[pl.ds(r0, 128)],
                              sum_hbm.at[c, pl.ds(r0, 128)], sem_p).wait()
        pltpu.make_async_copy(cnt_sh.at[pl.ds(r0, 128)],
                              cnt_hbm.at[c, pl.ds(r0, 128)], sem_p).wait()


_agg = pl.kernel(
    _agg_body,
    mesh=plsc.VectorSubcoreMesh(core_axis_name="c", subcore_axis_name="s"),
    out_type=[
        jax.ShapeDtypeStruct((_NC, _ACC_ROWS, _D), jnp.float32),
        jax.ShapeDtypeStruct((_NC, _ACC_ROWS), jnp.float32),
    ],
    scratch_types=[
        pltpu.VMEM((_CPW, _CHUNK), jnp.int32),
        pltpu.VMEM((_CHUNK,), jnp.int32),
        pltpu.VMEM((_CHUNK,), jnp.int32),
        pltpu.VMEM((_CHUNK,), jnp.int32),
        pltpu.VMEM((_CHUNK,), jnp.int32),
        pltpu.VMEM((_CHUNK, _D), jnp.float32),
        pltpu.VMEM((_CHUNK, _D), jnp.float32),
        pltpu.VMEM((_CHUNK,), jnp.float32),
        pltpu.VMEM((_CHUNK,), jnp.float32),
        pltpu.VMEM_SHARED((_ACC_ROWS, _D), jnp.float32),
        pltpu.VMEM_SHARED((_ACC_ROWS,), jnp.float32),
        pltpu.SemaphoreType.DMA,
        pltpu.SemaphoreType.DMA,
        pltpu.SemaphoreType.DMA,
    ],
)


_NCH = _EPAD // _CHUNK
_MCH = _E // _CHUNK


def _pack_body(e_ref, o_ref):
    src = e_ref[0].reshape(_MCH, _CHUNK)
    dst = e_ref[1].reshape(_MCH, _CHUNK)
    main = jnp.left_shift(dst, 14) | src
    o_ref[0:_MCH] = main
    rows = jax.lax.broadcasted_iota(jnp.int32, (_NCH - _MCH, _CHUNK), 0)
    lanes = jax.lax.broadcasted_iota(jnp.int32, (_NCH - _MCH, _CHUNK), 1)
    flat = rows * _CHUNK + lanes
    o_ref[_MCH:_NCH] = (
        jnp.left_shift(_N + flat % (_ACC_ROWS - _N), 14) | (flat % _N))


_pack = pl.pallas_call(
    _pack_body,
    out_shape=jax.ShapeDtypeStruct((_NCH, _CHUNK), jnp.int32),
)


def _epi_body(x_ref, s_ref, c_ref, o_ref):
    cnt = c_ref[0, 0:_N] + c_ref[1, 0:_N]
    cnt = jnp.maximum(cnt, 1.0).reshape(_N, 1)
    mean = (s_ref[0, 0:_N] + s_ref[1, 0:_N]) / cnt
    o_ref[...] = x_ref[...] + _W * mean


_epi = pl.pallas_call(
    _epi_body,
    out_shape=jax.ShapeDtypeStruct((_N, _D), jnp.float32),
)


def kernel(x, edge_index):
    packed = _pack(edge_index.astype(jnp.int32))
    ones = np.ones((_CHUNK,), np.float32)
    zra = np.zeros((_CHUNK, _D), np.float32)
    zrc = np.zeros((_CHUNK,), np.float32)
    sums, cnts = _agg(x, packed, ones, zra, zrc)
    return _epi(x, sums, cnts)

# --- scband reference (transcript-rebuilt; emitter-appended) ---
"""Pipeline reference for scband-agg-49168785605032 (READ-ONLY COPY).

The authoritative reference and input builder live on the scoring server;
editing this copy changes nothing except your own understanding.
"""

import jax, jax.numpy as jnp
import numpy as np

WEIGHT = 0.5
N_NODES = 10000

def setup_inputs(seed: int = 0) -> dict:
    key = jax.random.key(seed)
    k1, k2 = jax.random.split(key)
    x = jax.random.normal(k1, (10000, 128), dtype=jnp.float32)
    edge_index = jax.random.randint(k2, (2, 320000), 0, 10000, dtype=jnp.int64)
    return {"x": x, "edge_index": edge_index}

def reference(x, edge_index):
    # MessagePassing with aggr='mean', flow source_to_target:
    # messages x_j gathered from edge_index[0] (source), aggregated at edge_index[1] (target)
    src = edge_index[0]
    dst = edge_index[1]
    msgs = jnp.take(x, src, axis=0)  # message(x_j) = x_j
    agg_sum = jax.ops.segment_sum(msgs, dst, num_segments=N_NODES)
    counts = jax.ops.segment_sum(jnp.ones((dst.shape[0],), dtype=x.dtype), dst, num_segments=N_NODES)
    mean = agg_sum / jnp.clip(counts, 1.0)[:, None]  # mean aggregation (deg-0 nodes -> 0)
    # update(aggr_out) = aggr_out; forward: x + constant * out
    return x + WEIGHT * mean

if __name__ == "__main__":
    import jax
    _d = setup_inputs()
    print(jax.jit(kernel)(*tuple(_d.values())))

</pallas_src>

<mosaic_0001>
#map = affine_map<(d0, d1) -> (0, 0)>
#map1 = affine_map<(d0, d1) -> (0)>
#map2 = affine_map<(d0, d1) -> (0, 0, 0)>
module attributes {stable_mosaic.version = 14 : i64} {
  func.func @_agg_body(%arg0: i32, %arg1: i32, %arg2: memref<10000x128xf32, #tpu.memory_space<hbm>>, %arg3: memref<2560x128xi32, #tpu.memory_space<hbm>>, %arg4: memref<128xf32, #tpu.memory_space<hbm>>, %arg5: memref<128x128xf32, #tpu.memory_space<hbm>>, %arg6: memref<128xf32, #tpu.memory_space<hbm>>, %arg7: memref<2x10240x128xf32, #tpu.memory_space<hbm>>, %arg8: memref<2x10240xf32, #tpu.memory_space<hbm>>, %arg9: memref<80x128xi32, #tpu.memory_space<vmem>>, %arg10: memref<128xi32, #tpu.memory_space<vmem>>, %arg11: memref<128xi32, #tpu.memory_space<vmem>>, %arg12: memref<128xi32, #tpu.memory_space<vmem>>, %arg13: memref<128xi32, #tpu.memory_space<vmem>>, %arg14: memref<128x128xf32, #tpu.memory_space<vmem>>, %arg15: memref<128x128xf32, #tpu.memory_space<vmem>>, %arg16: memref<128xf32, #tpu.memory_space<vmem>>, %arg17: memref<128xf32, #tpu.memory_space<vmem>>, %arg18: memref<10240x128xf32, #tpu.memory_space<vmem_shared>>, %arg19: memref<10240xf32, #tpu.memory_space<vmem_shared>>, %arg20: memref<!tpu.dma_semaphore, #tpu.memory_space<semaphore_mem>>, %arg21: memref<!tpu.dma_semaphore, #tpu.memory_space<semaphore_mem>>, %arg22: memref<!tpu.dma_semaphore, #tpu.memory_space<semaphore_mem>>) attributes {dimension_semantics = [#tpu.dimension_semantics<core_parallel>, #tpu.dimension_semantics<subcore_parallel>], iteration_bounds = array<i64: 2, 16>, scalar_prefetch = 0 : i64, scratch_operands = 14 : i64, tpu.core_type = #tpu.core_type<sc_vector_subcore>, window_params = [{transform_indices = #map}, {transform_indices = #map}, {transform_indices = #map1}, {transform_indices = #map}, {transform_indices = #map1}, {transform_indices = #map2}, {transform_indices = #map}]} {
    %mul3A = arith.constant 2 : i32
    %mul3A_0 = arith.muli %arg1, %mul3A : i32
    %add3A = arith.addi %mul3A_0, %arg0 : i32
    "tpu.region"() ({
      %run_scoped3A = tpu.sem_alloc : memref<!tpu.dma_semaphore, #tpu.memory_space<semaphore_mem>>
      tpu.enqueue_dma source(%arg5 : memref<128x128xf32, #tpu.memory_space<hbm>>) target(%arg14 : memref<128x128xf32, #tpu.memory_space<vmem>>) target_semaphore(%run_scoped3A : memref<!tpu.dma_semaphore, #tpu.memory_space<semaphore_mem>>)
      tpu.wait_dma2 semaphore(%run_scoped3A : memref<!tpu.dma_semaphore, #tpu.memory_space<semaphore_mem>>) src(%arg5 : memref<128x128xf32, #tpu.memory_space<hbm>>) dst(%arg14 : memref<128x128xf32, #tpu.memory_space<vmem>>)
      tpu.yield
    }) : () -> ()
    "tpu.region"() ({
      %run_scoped3A = tpu.sem_alloc : memref<!tpu.dma_semaphore, #tpu.memory_space<semaphore_mem>>
      tpu.enqueue_dma source(%arg6 : memref<128xf32, #tpu.memory_space<hbm>>) target(%arg17 : memref<128xf32, #tpu.memory_space<vmem>>) target_semaphore(%run_scoped3A : memref<!tpu.dma_semaphore, #tpu.memory_space<semaphore_mem>>)
      tpu.wait_dma2 semaphore(%run_scoped3A : memref<!tpu.dma_semaphore, #tpu.memory_space<semaphore_mem>>) src(%arg6 : memref<128xf32, #tpu.memory_space<hbm>>) dst(%arg17 : memref<128xf32, #tpu.memory_space<vmem>>)
      tpu.yield
    }) : () -> ()
    %mul3A_1 = arith.constant 640 : i32
    %mul3A_2 = arith.muli %arg1, %mul3A_1 : i32
    %add3A_3 = arith.constant 0 : i32
    %add3A_4 = arith.addi %mul3A_2, %add3A_3 : i32
    %dma_start3A = arith.constant 0 : i32
    %dma_start3A_5 = tpu.memref_slice %arg18[%add3A_4, %dma_start3A] : memref<10240x128xf32, #tpu.memory_space<vmem_shared>> -> memref<128x128xf32, #tpu.memory_space<vmem_shared>>
    %dma_start3A_6 = arith.constant 0 : i32
    %dma_start3A_7 = tpu.memref_slice %arg18[%add3A_4, %dma_start3A_6] : memref<10240x128xf32, #tpu.memory_space<vmem_shared>> -> memref<128x128xf32, #tpu.memory_space<vmem_shared>>
    tpu.enqueue_dma source(%arg14 : memref<128x128xf32, #tpu.memory_space<vmem>>) target(%dma_start3A_7 : memref<128x128xf32, #tpu.memory_space<vmem_shared>>) target_semaphore(%arg22 : memref<!tpu.dma_semaphore, #tpu.memory_space<semaphore_mem>>)
    %add3A_8 = arith.constant 0 : i32
    %add3A_9 = arith.addi %mul3A_2, %add3A_8 : i32
    %dma_start3A_10 = tpu.memref_slice %arg19[%add3A_9] : memref<10240xf32, #tpu.memory_space<vmem_shared>> -> memref<128xf32, #tpu.memory_space<vmem_shared>>
    %dma_start3A_11 = tpu.memref_slice %arg19[%add3A_9] : memref<10240xf32, #tpu.memory_space<vmem_shared>> -> memref<128xf32, #tpu.memory_space<vmem_shared>>
    tpu.enqueue_dma source(%arg17 : memref<128xf32, #tpu.memory_space<vmem>>) target(%dma_start3A_11 : memref<128xf32, #tpu.memory_space<vmem_shared>>) target_semaphore(%arg22 : memref<!tpu.dma_semaphore, #tpu.memory_space<semaphore_mem>>)
    %add3A_12 = arith.constant 128 : i32
    %add3A_13 = arith.addi %mul3A_2, %add3A_12 : i32
    %dma_start3A_14 = arith.constant 0 : i32
    %dma_start3A_15 = tpu.memref_slice %arg18[%add3A_13, %dma_start3A_14] : memref<10240x128xf32, #tpu.memory_space<vmem_shared>> -> memref<128x128xf32, #tpu.memory_space<vmem_shared>>
    %dma_start3A_16 = arith.constant 0 : i32
    %dma_start3A_17 = tpu.memref_slice %arg18[%add3A_13, %dma_start3A_16] : memref<10240x128xf32, #tpu.memory_space<vmem_shared>> -> memref<128x128xf32, #tpu.memory_space<vmem_shared>>
    tpu.enqueue_dma source(%arg14 : memref<128x128xf32, #tpu.memory_space<vmem>>) target(%dma_start3A_17 : memref<128x128xf32, #tpu.memory_space<vmem_shared>>) target_semaphore(%arg22 : memref<!tpu.dma_semaphore, #tpu.memory_space<semaphore_mem>>)
    %add3A_18 = arith.constant 128 : i32
    %add3A_19 = arith.addi %mul3A_2, %add3A_18 : i32
    %dma_start3A_20 = tpu.memref_slice %arg19[%add3A_19] : memref<10240xf32, #tpu.memory_space<vmem_shared>> -> memref<128xf32, #tpu.memory_space<vmem_shared>>
    %dma_start3A_21 = tpu.memref_slice %arg19[%add3A_19] : memref<10240xf32, #tpu.memory_space<vmem_shared>> -> memref<128xf32, #tpu.memory_space<vmem_shared>>
    tpu.enqueue_dma source(%arg17 : memref<128xf32, #tpu.memory_space<vmem>>) target(%dma_start3A_21 : memref<128xf32, #tpu.memory_space<vmem_shared>>) target_semaphore(%arg22 : memref<!tpu.dma_semaphore, #tpu.memory_space<semaphore_mem>>)
    %add3A_22 = arith.constant 256 : i32
    %add3A_23 = arith.addi %mul3A_2, %add3A_22 : i32
    %dma_start3A_24 = arith.constant 0 : i32
    %dma_start3A_25 = tpu.memref_slice %arg18[%add3A_23, %dma_start3A_24] : memref<10240x128xf32, #tpu.memory_space<vmem_shared>> -> memref<128x128xf32, #tpu.memory_space<vmem_shared>>
    %dma_start3A_26 = arith.constant 0 : i32
    %dma_start3A_27 = tpu.memref_slice %arg18[%add3A_23, %dma_start3A_26] : memref<10240x128xf32, #tpu.memory_space<vmem_shared>> -> memref<128x128xf32, #tpu.memory_space<vmem_shared>>
    tpu.enqueue_dma source(%arg14 : memref<128x128xf32, #tpu.memory_space<vmem>>) target(%dma_start3A_27 : memref<128x128xf32, #tpu.memory_space<vmem_shared>>) target_semaphore(%arg22 : memref<!tpu.dma_semaphore, #tpu.memory_space<semaphore_mem>>)
    %add3A_28 = arith.constant 256 : i32
    %add3A_29 = arith.addi %mul3A_2, %add3A_28 : i32
    %dma_start3A_30 = tpu.memref_slice %arg19[%add3A_29] : memref<10240xf32, #tpu.memory_space<vmem_shared>> -> memref<128xf32, #tpu.memory_space<vmem_shared>>
    %dma_start3A_31 = tpu.memref_slice %arg19[%add3A_29] : memref<10240xf32, #tpu.memory_space<vmem_shared>> -> memref<128xf32, #tpu.memory_space<vmem_shared>>
    tpu.enqueue_dma source(%arg17 : memref<128xf32, #tpu.memory_space<vmem>>) target(%dma_start3A_31 : memref<128xf32, #tpu.memory_space<vmem_shared>>) target_semaphore(%arg22 : memref<!tpu.dma_semaphore, #tpu.memory_space<semaphore_mem>>)
    %add3A_32 = arith.constant 384 : i32
    %add3A_33 = arith.addi %mul3A_2, %add3A_32 : i32
    %dma_start3A_34 = arith.constant 0 : i32
    %dma_start3A_35 = tpu.memref_slice %arg18[%add3A_33, %dma_start3A_34] : memref<10240x128xf32, #tpu.memory_space<vmem_shared>> -> memref<128x128xf32, #tpu.memory_space<vmem_shared>>
    %dma_start3A_36 = arith.constant 0 : i32
    %dma_start3A_37 = tpu.memref_slice %arg18[%add3A_33, %dma_start3A_36] : memref<10240x128xf32, #tpu.memory_space<vmem_shared>> -> memref<128x128xf32, #tpu.memory_space<vmem_shared>>
    tpu.enqueue_dma source(%arg14 : memref<128x128xf32, #tpu.memory_space<vmem>>) target(%dma_start3A_37 : memref<128x128xf32, #tpu.memory_space<vmem_shared>>) target_semaphore(%arg22 : memref<!tpu.dma_semaphore, #tpu.memory_space<semaphore_mem>>)
    %add3A_38 = arith.constant 384 : i32
    %add3A_39 = arith.addi %mul3A_2, %add3A_38 : i32
    %dma_start3A_40 = tpu.memref_slice %arg19[%add3A_39] : memref<10240xf32, #tpu.memory_space<vmem_shared>> -> memref<128xf32, #tpu.memory_space<vmem_shared>>
    %dma_start3A_41 = tpu.memref_slice %arg19[%add3A_39] : memref<10240xf32, #tpu.memory_space<vmem_shared>> -> memref<128xf32, #tpu.memory_space<vmem_shared>>
    tpu.enqueue_dma source(%arg17 : memref<128xf32, #tpu.memory_space<vmem>>) target(%dma_start3A_41 : memref<128xf32, #tpu.memory_space<vmem_shared>>) target_semaphore(%arg22 : memref<!tpu.dma_semaphore, #tpu.memory_space<semaphore_mem>>)
    %add3A_42 = arith.constant 512 : i32
    %add3A_43 = arith.addi %mul3A_2, %add3A_42 : i32
    %dma_start3A_44 = arith.constant 0 : i32
    %dma_start3A_45 = tpu.memref_slice %arg18[%add3A_43, %dma_start3A_44] : memref<10240x128xf32, #tpu.memory_space<vmem_shared>> -> memref<128x128xf32, #tpu.memory_space<vmem_shared>>
    %dma_start3A_46 = arith.constant 0 : i32
    %dma_start3A_47 = tpu.memref_slice %arg18[%add3A_43, %dma_start3A_46] : memref<10240x128xf32, #tpu.memory_space<vmem_shared>> -> memref<128x128xf32, #tpu.memory_space<vmem_shared>>
    tpu.enqueue_dma source(%arg14 : memref<128x128xf32, #tpu.memory_space<vmem>>) target(%dma_start3A_47 : memref<128x128xf32, #tpu.memory_space<vmem_shared>>) target_semaphore(%arg22 : memref<!tpu.dma_semaphore, #tpu.memory_space<semaphore_mem>>)
    %add3A_48 = arith.constant 512 : i32
    %add3A_49 = arith.addi %mul3A_2, %add3A_48 : i32
    %dma_start3A_50 = tpu.memref_slice %arg19[%add3A_49] : memref<10240xf32, #tpu.memory_space<vmem_shared>> -> memref<128xf32, #tpu.memory_space<vmem_shared>>
    %dma_start3A_51 = tpu.memref_slice %arg19[%add3A_49] : memref<10240xf32, #tpu.memory_space<vmem_shared>> -> memref<128xf32, #tpu.memory_space<vmem_shared>>
    tpu.enqueue_dma source(%arg17 : memref<128xf32, #tpu.memory_space<vmem>>) target(%dma_start3A_51 : memref<128xf32, #tpu.memory_space<vmem_shared>>) target_semaphore(%arg22 : memref<!tpu.dma_semaphore, #tpu.memory_space<semaphore_mem>>)
    %mul3A_52 = arith.constant 80 : i32
    %mul3A_53 = arith.muli %add3A, %mul3A_52 : i32
    "tpu.region"() ({
      %run_scoped3A = tpu.sem_alloc : memref<!tpu.dma_semaphore, #tpu.memory_space<semaphore_mem>>
      %dma_start3A_521 = arith.constant 0 : i32
      %dma_start3A_522 = tpu.memref_slice %arg3[%mul3A_53, %dma_start3A_521] : memref<2560x128xi32, #tpu.memory_space<hbm>> -> memref<80x128xi32, #tpu.memory_space<hbm>>
      %dma_start3A_523 = arith.constant 0 : i32
      %dma_start3A_524 = tpu.memref_slice %arg3[%mul3A_53, %dma_start3A_523] : memref<2560x128xi32, #tpu.memory_space<hbm>> -> memref<80x128xi32, #tpu.memory_space<hbm>>
      tpu.enqueue_dma source(%dma_start3A_524 : memref<80x128xi32, #tpu.memory_space<hbm>>) target(%arg9 : memref<80x128xi32, #tpu.memory_space<vmem>>) target_semaphore(%run_scoped3A : memref<!tpu.dma_semaphore, #tpu.memory_space<semaphore_mem>>)
      %dma_wait3A_525 = arith.constant 0 : i32
      %dma_wait3A_526 = tpu.memref_slice %arg3[%mul3A_53, %dma_wait3A_525] : memref<2560x128xi32, #tpu.memory_space<hbm>> -> memref<80x128xi32, #tpu.memory_space<hbm>>
      %dma_wait3A_527 = arith.constant 0 : i32
      %dma_wait3A_528 = tpu.memref_slice %arg3[%mul3A_53, %dma_wait3A_527] : memref<2560x128xi32, #tpu.memory_space<hbm>> -> memref<80x128xi32, #tpu.memory_space<hbm>>
      tpu.wait_dma2 semaphore(%run_scoped3A : memref<!tpu.dma_semaphore, #tpu.memory_space<semaphore_mem>>) src(%dma_wait3A_528 : memref<80x128xi32, #tpu.memory_space<hbm>>) dst(%arg9 : memref<80x128xi32, #tpu.memory_space<vmem>>)
      tpu.yield
    }) : () -> ()
    "tpu.region"() ({
      %run_scoped3A = tpu.sem_alloc : memref<!tpu.dma_semaphore, #tpu.memory_space<semaphore_mem>>
      tpu.enqueue_dma source(%arg4 : memref<128xf32, #tpu.memory_space<hbm>>) target(%arg16 : memref<128xf32, #tpu.memory_space<vmem>>) target_semaphore(%run_scoped3A : memref<!tpu.dma_semaphore, #tpu.memory_space<semaphore_mem>>)
      tpu.wait_dma2 semaphore(%run_scoped3A : memref<!tpu.dma_semaphore, #tpu.memory_space<semaphore_mem>>) src(%arg4 : memref<128xf32, #tpu.memory_space<hbm>>) dst(%arg16 : memref<128xf32, #tpu.memory_space<vmem>>)
      tpu.yield
    }) : () -> ()
    %dma_wait3A = arith.constant 0 : i32
    %dma_wait3A_54 = tpu.memref_slice %arg18[%mul3A_2, %dma_wait3A] : memref<10240x128xf32, #tpu.memory_space<vmem_shared>> -> memref<128x128xf32, #tpu.memory_space<vmem_shared>>
    %dma_wait3A_55 = arith.constant 0 : i32
    %dma_wait3A_56 = tpu.memref_slice %arg18[%mul3A_2, %dma_wait3A_55] : memref<10240x128xf32, #tpu.memory_space<vmem_shared>> -> memref<128x128xf32, #tpu.memory_space<vmem_shared>>
    tpu.wait_dma2 semaphore(%arg22 : memref<!tpu.dma_semaphore, #tpu.memory_space<semaphore_mem>>) src(%arg14 : memref<128x128xf32, #tpu.memory_space<vmem>>) dst(%dma_wait3A_56 : memref<128x128xf32, #tpu.memory_space<vmem_shared>>)
    %dma_wait3A_57 = tpu.memref_slice %arg19[%mul3A_2] : memref<10240xf32, #tpu.memory_space<vmem_shared>> -> memref<128xf32, #tpu.memory_space<vmem_shared>>
    %dma_wait3A_58 = tpu.memref_slice %arg19[%mul3A_2] : memref<10240xf32, #tpu.memory_space<vmem_shared>> -> memref<128xf32, #tpu.memory_space<vmem_shared>>
    tpu.wait_dma2 semaphore(%arg22 : memref<!tpu.dma_semaphore, #tpu.memory_space<semaphore_mem>>) src(%arg17 : memref<128xf32, #tpu.memory_space<vmem>>) dst(%dma_wait3A_58 : memref<128xf32, #tpu.memory_space<vmem_shared>>)
    %dma_wait3A_59 = arith.constant 0 : i32
    %dma_wait3A_60 = tpu.memref_slice %arg18[%mul3A_2, %dma_wait3A_59] : memref<10240x128xf32, #tpu.memory_space<vmem_shared>> -> memref<128x128xf32, #tpu.memory_space<vmem_shared>>
    %dma_wait3A_61 = arith.constant 0 : i32
    %dma_wait3A_62 = tpu.memref_slice %arg18[%mul3A_2, %dma_wait3A_61] : memref<10240x128xf32, #tpu.memory_space<vmem_shared>> -> memref<128x128xf32, #tpu.memory_space<vmem_shared>>
    tpu.wait_dma2 semaphore(%arg22 : memref<!tpu.dma_semaphore, #tpu.memory_space<semaphore_mem>>) src(%arg14 : memref<128x128xf32, #tpu.memory_space<vmem>>) dst(%dma_wait3A_62 : memref<128x128xf32, #tpu.memory_space<vmem_shared>>)
    %dma_wait3A_63 = tpu.memref_slice %arg19[%mul3A_2] : memref<10240xf32, #tpu.memory_space<vmem_shared>> -> memref<128xf32, #tpu.memory_space<vmem_shared>>
    %dma_wait3A_64 = tpu.memref_slice %arg19[%mul3A_2] : memref<10240xf32, #tpu.memory_space<vmem_shared>> -> memref<128xf32, #tpu.memory_space<vmem_shared>>
    tpu.wait_dma2 semaphore(%arg22 : memref<!tpu.dma_semaphore, #tpu.memory_space<semaphore_mem>>) src(%arg17 : memref<128xf32, #tpu.memory_space<vmem>>) dst(%dma_wait3A_64 : memref<128xf32, #tpu.memory_space<vmem_shared>>)
    %dma_wait3A_65 = arith.constant 0 : i32
    %dma_wait3A_66 = tpu.memref_slice %arg18[%mul3A_2, %dma_wait3A_65] : memref<10240x128xf32, #tpu.memory_space<vmem_shared>> -> memref<128x128xf32, #tpu.memory_space<vmem_shared>>
    %dma_wait3A_67 = arith.constant 0 : i32
    %dma_wait3A_68 = tpu.memref_slice %arg18[%mul3A_2, %dma_wait3A_67] : memref<10240x128xf32, #tpu.memory_space<vmem_shared>> -> memref<128x128xf32, #tpu.memory_space<vmem_shared>>
    tpu.wait_dma2 semaphore(%arg22 : memref<!tpu.dma_semaphore, #tpu.memory_space<semaphore_mem>>) src(%arg14 : memref<128x128xf32, #tpu.memory_space<vmem>>) dst(%dma_wait3A_68 : memref<128x128xf32, #tpu.memory_space<vmem_shared>>)
    %dma_wait3A_69 = tpu.memref_slice %arg19[%mul3A_2] : memref<10240xf32, #tpu.memory_space<vmem_shared>> -> memref<128xf32, #tpu.memory_space<vmem_shared>>
    %dma_wait3A_70 = tpu.memref_slice %arg19[%mul3A_2] : memref<10240xf32, #tpu.memory_space<vmem_shared>> -> memref<128xf32, #tpu.memory_space<vmem_shared>>
    tpu.wait_dma2 semaphore(%arg22 : memref<!tpu.dma_semaphore, #tpu.memory_space<semaphore_mem>>) src(%arg17 : memref<128xf32, #tpu.memory_space<vmem>>) dst(%dma_wait3A_70 : memref<128xf32, #tpu.memory_space<vmem_shared>>)
    %dma_wait3A_71 = arith.constant 0 : i32
    %dma_wait3A_72 = tpu.memref_slice %arg18[%mul3A_2, %dma_wait3A_71] : memref<10240x128xf32, #tpu.memory_space<vmem_shared>> -> memref<128x128xf32, #tpu.memory_space<vmem_shared>>
    %dma_wait3A_73 = arith.constant 0 : i32
    %dma_wait3A_74 = tpu.memref_slice %arg18[%mul3A_2, %dma_wait3A_73] : memref<10240x128xf32, #tpu.memory_space<vmem_shared>> -> memref<128x128xf32, #tpu.memory_space<vmem_shared>>
    tpu.wait_dma2 semaphore(%arg22 : memref<!tpu.dma_semaphore, #tpu.memory_space<semaphore_mem>>) src(%arg14 : memref<128x128xf32, #tpu.memory_space<vmem>>) dst(%dma_wait3A_74 : memref<128x128xf32, #tpu.memory_space<vmem_shared>>)
    %dma_wait3A_75 = tpu.memref_slice %arg19[%mul3A_2] : memref<10240xf32, #tpu.memory_space<vmem_shared>> -> memref<128xf32, #tpu.memory_space<vmem_shared>>
    %dma_wait3A_76 = tpu.memref_slice %arg19[%mul3A_2] : memref<10240xf32, #tpu.memory_space<vmem_shared>> -> memref<128xf32, #tpu.memory_space<vmem_shared>>
    tpu.wait_dma2 semaphore(%arg22 : memref<!tpu.dma_semaphore, #tpu.memory_space<semaphore_mem>>) src(%arg17 : memref<128xf32, #tpu.memory_space<vmem>>) dst(%dma_wait3A_76 : memref<128xf32, #tpu.memory_space<vmem_shared>>)
    %dma_wait3A_77 = arith.constant 0 : i32
    %dma_wait3A_78 = tpu.memref_slice %arg18[%mul3A_2, %dma_wait3A_77] : memref<10240x128xf32, #tpu.memory_space<vmem_shared>> -> memref<128x128xf32, #tpu.memory_space<vmem_shared>>
    %dma_wait3A_79 = arith.constant 0 : i32
    %dma_wait3A_80 = tpu.memref_slice %arg18[%mul3A_2, %dma_wait3A_79] : memref<10240x128xf32, #tpu.memory_space<vmem_shared>> -> memref<128x128xf32, #tpu.memory_space<vmem_shared>>
    tpu.wait_dma2 semaphore(%arg22 : memref<!tpu.dma_semaphore, #tpu.memory_space<semaphore_mem>>) src(%arg14 : memref<128x128xf32, #tpu.memory_space<vmem>>) dst(%dma_wait3A_80 : memref<128x128xf32, #tpu.memory_space<vmem_shared>>)
    %dma_wait3A_81 = tpu.memref_slice %arg19[%mul3A_2] : memref<10240xf32, #tpu.memory_space<vmem_shared>> -> memref<128xf32, #tpu.memory_space<vmem_shared>>
    %dma_wait3A_82 = tpu.memref_slice %arg19[%mul3A_2] : memref<10240xf32, #tpu.memory_space<vmem_shared>> -> memref<128xf32, #tpu.memory_space<vmem_shared>>
    tpu.wait_dma2 semaphore(%arg22 : memref<!tpu.dma_semaphore, #tpu.memory_space<semaphore_mem>>) src(%arg17 : memref<128xf32, #tpu.memory_space<vmem>>) dst(%dma_wait3A_82 : memref<128xf32, #tpu.memory_space<vmem_shared>>)
    %barrier3A = arith.constant 0 : index
    tpu.barrier barrier_id(%barrier3A)
    %get3A = arith.constant 0 : i32
    %get3A_83 = arith.index_cast %get3A : i32 to index
    %get3A_84 = arith.constant 0 : index
    %get3A_85 = tpu.vector_load %arg9[%get3A_83, %get3A_84] {strides = array<i32>} : memref<80x128xi32, #tpu.memory_space<vmem>>, vector<1x16xi32>,
    %get3A_86 = vector.shape_cast %get3A_85 : vector<1x16xi32> to vector<16xi32>
    %and3A = arith.constant 16383 : i32
    %and3A_87 = vector.broadcast %and3A : i32 to vector<16xi32>
    %and3A_88 = arith.andi %get3A_86, %and3A_87 : vector<16xi32>
    %swap3A = arith.constant 0 : index
    %swap3A_89 = tpu.vector_load %arg10[%swap3A] {strides = array<i32>} : memref<128xi32, #tpu.memory_space<vmem>>, vector<16xi32>,
    %swap3A_90 = vector.shape_cast %swap3A_89 : vector<16xi32> to vector<16xi32>
    %swap3A_91 = vector.shape_cast %and3A_88 : vector<16xi32> to vector<16xi32>
    tpu.vector_store %arg10[%swap3A], %swap3A_91 {strides = array<i32>} : memref<128xi32, #tpu.memory_space<vmem>>, vector<16xi32>,
    %shift_right_arithmetic3A = arith.constant 14 : i32
    %shift_right_arithmetic3A_92 = vector.broadcast %shift_right_arithmetic3A : i32 to vector<16xi32>
    %shift_right_arithmetic3A_93 = arith.shrsi %get3A_86, %shift_right_arithmetic3A_92 : vector<16xi32>
    %swap3A_94 = arith.constant 0 : index
    %swap3A_95 = tpu.vector_load %arg11[%swap3A_94] {strides = array<i32>} : memref<128xi32, #tpu.memory_space<vmem>>, vector<16xi32>,
    %swap3A_96 = vector.shape_cast %swap3A_95 : vector<16xi32> to vector<16xi32>
    %swap3A_97 = vector.shape_cast %shift_right_arithmetic3A_93 : vector<16xi32> to vector<16xi32>
    tpu.vector_store %arg11[%swap3A_94], %swap3A_97 {strides = array<i32>} : memref<128xi32, #tpu.memory_space<vmem>>, vector<16xi32>,
    %get3A_98 = arith.constant 0 : i32
    %get3A_99 = arith.index_cast %get3A_98 : i32 to index
    %get3A_100 = arith.constant 16 : index
    %get3A_101 = tpu.vector_load %arg9[%get3A_99, %get3A_100] {strides = array<i32>} : memref<80x128xi32, #tpu.memory_space<vmem>>, vector<1x16xi32>,
    %get3A_102 = vector.shape_cast %get3A_101 : vector<1x16xi32> to vector<16xi32>
    %and3A_103 = arith.constant 16383 : i32
    %and3A_104 = vector.broadcast %and3A_103 : i32 to vector<16xi32>
    %and3A_105 = arith.andi %get3A_102, %and3A_104 : vector<16xi32>
    %swap3A_106 = arith.constant 16 : index
    %swap3A_107 = tpu.vector_load %arg10[%swap3A_106] {strides = array<i32>} : memref<128xi32, #tpu.memory_space<vmem>>, vector<16xi32>,
    %swap3A_108 = vector.shape_cast %swap3A_107 : vector<16xi32> to vector<16xi32>
    %swap3A_109 = vector.shape_cast %and3A_105 : vector<16xi32> to vector<16xi32>
    tpu.vector_store %arg10[%swap3A_106], %swap3A_109 {strides = array<i32>} : memref<128xi32, #tpu.memory_space<vmem>>, vector<16xi32>,
    %shift_right_arithmetic3A_110 = arith.constant 14 : i32
    %shift_right_arithmetic3A_111 = vector.broadcast %shift_right_arithmetic3A_110 : i32 to vector<16xi32>
    %shift_right_arithmetic3A_112 = arith.shrsi %get3A_102, %shift_right_arithmetic3A_111 : vector<16xi32>
    %swap3A_113 = arith.constant 16 : index
    %swap3A_114 = tpu.vector_load %arg11[%swap3A_113] {strides = array<i32>} : memref<128xi32, #tpu.memory_space<vmem>>, vector<16xi32>,
    %swap3A_115 = vector.shape_cast %swap3A_114 : vector<16xi32> to vector<16xi32>
    %swap3A_116 = vector.shape_cast %shift_right_arithmetic3A_112 : vector<16xi32> to vector<16xi32>
    tpu.vector_store %arg11[%swap3A_113], %swap3A_116 {strides = array<i32>} : memref<128xi32, #tpu.memory_space<vmem>>, vector<16xi32>,
    %get3A_117 = arith.constant 0 : i32
    %get3A_118 = arith.index_cast %get3A_117 : i32 to index
    %get3A_119 = arith.constant 32 : index
    %get3A_120 = tpu.vector_load %arg9[%get3A_118, %get3A_119] {strides = array<i32>} : memref<80x128xi32, #tpu.memory_space<vmem>>, vector<1x16xi32>,
    %get3A_121 = vector.shape_cast %get3A_120 : vector<1x16xi32> to vector<16xi32>
    %and3A_122 = arith.constant 16383 : i32
    %and3A_123 = vector.broadcast %and3A_122 : i32 to vector<16xi32>
    %and3A_124 = arith.andi %get3A_121, %and3A_123 : vector<16xi32>
    %swap3A_125 = arith.constant 32 : index
    %swap3A_126 = tpu.vector_load %arg10[%swap3A_125] {strides = array<i32>} : memref<128xi32, #tpu.memory_space<vmem>>, vector<16xi32>,
    %swap3A_127 = vector.shape_cast %swap3A_126 : vector<16xi32> to vector<16xi32>
    %swap3A_128 = vector.shape_cast %and3A_124 : vector<16xi32> to vector<16xi32>
    tpu.vector_store %arg10[%swap3A_125], %swap3A_128 {strides = array<i32>} : memref<128xi32, #tpu.memory_space<vmem>>, vector<16xi32>,
    %shift_right_arithmetic3A_129 = arith.constant 14 : i32
    %shift_right_arithmetic3A_130 = vector.broadcast %shift_right_arithmetic3A_129 : i32 to vector<16xi32>
    %shift_right_arithmetic3A_131 = arith.shrsi %get3A_121, %shift_right_arithmetic3A_130 : vector<16xi32>
    %swap3A_132 = arith.constant 32 : index
    %swap3A_133 = tpu.vector_load %arg11[%swap3A_132] {strides = array<i32>} : memref<128xi32, #tpu.memory_space<vmem>>, vector<16xi32>,
    %swap3A_134 = vector.shape_cast %swap3A_133 : vector<16xi32> to vector<16xi32>
    %swap3A_135 = vector.shape_cast %shift_right_arithmetic3A_131 : vector<16xi32> to vector<16xi32>
    tpu.vector_store %arg11[%swap3A_132], %swap3A_135 {strides = array<i32>} : memref<128xi32, #tpu.memory_space<vmem>>, vector<16xi32>,
    %get3A_136 = arith.constant 0 : i32
    %get3A_137 = arith.index_cast %get3A_136 : i32 to index
    %get3A_138 = arith.constant 48 : index
    %get3A_139 = tpu.vector_load %arg9[%get3A_137, %get3A_138] {strides = array<i32>} : memref<80x128xi32, #tpu.memory_space<vmem>>, vector<1x16xi32>,
    %get3A_140 = vector.shape_cast %get3A_139 : vector<1x16xi32> to vector<16xi32>
    %and3A_141 = arith.constant 16383 : i32
    %and3A_142 = vector.broadcast %and3A_141 : i32 to vector<16xi32>
    %and3A_143 = arith.andi %get3A_140, %and3A_142 : vector<16xi32>
    %swap3A_144 = arith.constant 48 : index
    %swap3A_145 = tpu.vector_load %arg10[%swap3A_144] {strides = array<i32>} : memref<128xi32, #tpu.memory_space<vmem>>, vector<16xi32>,
    %swap3A_146 = vector.shape_cast %swap3A_145 : vector<16xi32> to vector<16xi32>
    %swap3A_147 = vector.shape_cast %and3A_143 : vector<16xi32> to vector<16xi32>
    tpu.vector_store %arg10[%swap3A_144], %swap3A_147 {strides = array<i32>} : memref<128xi32, #tpu.memory_space<vmem>>, vector<16xi32>,
    %shift_right_arithmetic3A_148 = arith.constant 14 : i32
    %shift_right_arithmetic3A_149 = vector.broadcast %shift_right_arithmetic3A_148 : i32 to vector<16xi32>
    %shift_right_arithmetic3A_150 = arith.shrsi %get3A_140, %shift_right_arithmetic3A_149 : vector<16xi32>
    %swap3A_151 = arith.constant 48 : index
    %swap3A_152 = tpu.vector_load %arg11[%swap3A_151] {strides = array<i32>} : memref<128xi32, #tpu.memory_space<vmem>>, vector<16xi32>,
    %swap3A_153 = vector.shape_cast %swap3A_152 : vector<16xi32> to vector<16xi32>
    %swap3A_154 = vector.shape_cast %shift_right_arithmetic3A_150 : vector<16xi32> to vector<16xi32>
    tpu.vector_store %arg11[%swap3A_151], %swap3A_154 {strides = array<i32>} : memref<128xi32, #tpu.memory_space<vmem>>, vector<16xi32>,
    %get3A_155 = arith.constant 0 : i32
    %get3A_156 = arith.index_cast %get3A_155 : i32 to index
    %get3A_157 = arith.constant 64 : index
    %get3A_158 = tpu.vector_load %arg9[%get3A_156, %get3A_157] {strides = array<i32>} : memref<80x128xi32, #tpu.memory_space<vmem>>, vector<1x16xi32>,
    %get3A_159 = vector.shape_cast %get3A_158 : vector<1x16xi32> to vector<16xi32>
    %and3A_160 = arith.constant 16383 : i32
    %and3A_161 = vector.broadcast %and3A_160 : i32 to vector<16xi32>
    %and3A_162 = arith.andi %get3A_159, %and3A_161 : vector<16xi32>
    %swap3A_163 = arith.constant 64 : index
    %swap3A_164 = tpu.vector_load %arg10[%swap3A_163] {strides = array<i32>} : memref<128xi32, #tpu.memory_space<vmem>>, vector<16xi32>,
    %swap3A_165 = vector.shape_cast %swap3A_164 : vector<16xi32> to vector<16xi32>
    %swap3A_166 = vector.shape_cast %and3A_162 : vector<16xi32> to vector<16xi32>
    tpu.vector_store %arg10[%swap3A_163], %swap3A_166 {strides = array<i32>} : memref<128xi32, #tpu.memory_space<vmem>>, vector<16xi32>,
    %shift_right_arithmetic3A_167 = arith.constant 14 : i32
    %shift_right_arithmetic3A_168 = vector.broadcast %shift_right_arithmetic3A_167 : i32 to vector<16xi32>
    %shift_right_arithmetic3A_169 = arith.shrsi %get3A_159, %shift_right_arithmetic3A_168 : vector<16xi32>
    %swap3A_170 = arith.constant 64 : index
    %swap3A_171 = tpu.vector_load %arg11[%swap3A_170] {strides = array<i32>} : memref<128xi32, #tpu.memory_space<vmem>>, vector<16xi32>,
    %swap3A_172 = vector.shape_cast %swap3A_171 : vector<16xi32> to vector<16xi32>
    %swap3A_173 = vector.shape_cast %shift_right_arithmetic3A_169 : vector<16xi32> to vector<16xi32>
    tpu.vector_store %arg11[%swap3A_170], %swap3A_173 {strides = array<i32>} : memref<128xi32, #tpu.memory_space<vmem>>, vector<16xi32>,
    %get3A_174 = arith.constant 0 : i32
    %get3A_175 = arith.index_cast %get3A_174 : i32 to index
    %get3A_176 = arith.constant 80 : index
    %get3A_177 = tpu.vector_load %arg9[%get3A_175, %get3A_176] {strides = array<i32>} : memref<80x128xi32, #tpu.memory_space<vmem>>, vector<1x16xi32>,
    %get3A_178 = vector.shape_cast %get3A_177 : vector<1x16xi32> to vector<16xi32>
    %and3A_179 = arith.constant 16383 : i32
    %and3A_180 = vector.broadcast %and3A_179 : i32 to vector<16xi32>
    %and3A_181 = arith.andi %get3A_178, %and3A_180 : vector<16xi32>
    %swap3A_182 = arith.constant 80 : index
    %swap3A_183 = tpu.vector_load %arg10[%swap3A_182] {strides = array<i32>} : memref<128xi32, #tpu.memory_space<vmem>>, vector<16xi32>,
    %swap3A_184 = vector.shape_cast %swap3A_183 : vector<16xi32> to vector<16xi32>
    %swap3A_185 = vector.shape_cast %and3A_181 : vector<16xi32> to vector<16xi32>
    tpu.vector_store %arg10[%swap3A_182], %swap3A_185 {strides = array<i32>} : memref<128xi32, #tpu.memory_space<vmem>>, vector<16xi32>,
    %shift_right_arithmetic3A_186 = arith.constant 14 : i32
    %shift_right_arithmetic3A_187 = vector.broadcast %shift_right_arithmetic3A_186 : i32 to vector<16xi32>
    %shift_right_arithmetic3A_188 = arith.shrsi %get3A_178, %shift_right_arithmetic3A_187 : vector<16xi32>
    %swap3A_189 = arith.constant 80 : index
    %swap3A_190 = tpu.vector_load %arg11[%swap3A_189] {strides = array<i32>} : memref<128xi32, #tpu.memory_space<vmem>>, vector<16xi32>,
    %swap3A_191 = vector.shape_cast %swap3A_190 : vector<16xi32> to vector<16xi32>
    %swap3A_192 = vector.shape_cast %shift_right_arithmetic3A_188 : vector<16xi32> to vector<16xi32>
    tpu.vector_store %arg11[%swap3A_189], %swap3A_192 {strides = array<i32>} : memref<128xi32, #tpu.memory_space<vmem>>, vector<16xi32>,
    %get3A_193 = arith.constant 0 : i32
    %get3A_194 = arith.index_cast %get3A_193 : i32 to index
    %get3A_195 = arith.constant 96 : index
    %get3A_196 = tpu.vector_load %arg9[%get3A_194, %get3A_195] {strides = array<i32>} : memref<80x128xi32, #tpu.memory_space<vmem>>, vector<1x16xi32>,
    %get3A_197 = vector.shape_cast %get3A_196 : vector<1x16xi32> to vector<16xi32>
    %and3A_198 = arith.constant 16383 : i32
    %and3A_199 = vector.broadcast %and3A_198 : i32 to vector<16xi32>
    %and3A_200 = arith.andi %get3A_197, %and3A_199 : vector<16xi32>
    %swap3A_201 = arith.constant 96 : index
    %swap3A_202 = tpu.vector_load %arg10[%swap3A_201] {strides = array<i32>} : memref<128xi32, #tpu.memory_space<vmem>>, vector<16xi32>,
    %swap3A_203 = vector.shape_cast %swap3A_202 : vector<16xi32> to vector<16xi32>
    %swap3A_204 = vector.shape_cast %and3A_200 : vector<16xi32> to vector<16xi32>
    tpu.vector_store %arg10[%swap3A_201], %swap3A_204 {strides = array<i32>} : memref<128xi32, #tpu.memory_space<vmem>>, vector<16xi32>,
    %shift_right_arithmetic3A_205 = arith.constant 14 : i32
    %shift_right_arithmetic3A_206 = vector.broadcast %shift_right_arithmetic3A_205 : i32 to vector<16xi32>
    %shift_right_arithmetic3A_207 = arith.shrsi %get3A_197, %shift_right_arithmetic3A_206 : vector<16xi32>
    %swap3A_208 = arith.constant 96 : index
    %swap3A_209 = tpu.vector_load %arg11[%swap3A_208] {strides = array<i32>} : memref<128xi32, #tpu.memory_space<vmem>>, vector<16xi32>,
    %swap3A_210 = vector.shape_cast %swap3A_209 : vector<16xi32> to vector<16xi32>
    %swap3A_211 = vector.shape_cast %shift_right_arithmetic3A_207 : vector<16xi32> to vector<16xi32>
    tpu.vector_store %arg11[%swap3A_208], %swap3A_211 {strides = array<i32>} : memref<128xi32, #tpu.memory_space<vmem>>, vector<16xi32>,
    %get3A_212 = arith.constant 0 : i32
    %get3A_213 = arith.index_cast %get3A_212 : i32 to index
    %get3A_214 = arith.constant 112 : index
    %get3A_215 = tpu.vector_load %arg9[%get3A_213, %get3A_214] {strides = array<i32>} : memref<80x128xi32, #tpu.memory_space<vmem>>, vector<1x16xi32>,
    %get3A_216 = vector.shape_cast %get3A_215 : vector<1x16xi32> to vector<16xi32>
    %and3A_217 = arith.constant 16383 : i32
    %and3A_218 = vector.broadcast %and3A_217 : i32 to vector<16xi32>
    %and3A_219 = arith.andi %get3A_216, %and3A_218 : vector<16xi32>
    %swap3A_220 = arith.constant 112 : index
    %swap3A_221 = tpu.vector_load %arg10[%swap3A_220] {strides = array<i32>} : memref<128xi32, #tpu.memory_space<vmem>>, vector<16xi32>,
    %swap3A_222 = vector.shape_cast %swap3A_221 : vector<16xi32> to vector<16xi32>
    %swap3A_223 = vector.shape_cast %and3A_219 : vector<16xi32> to vector<16xi32>
    tpu.vector_store %arg10[%swap3A_220], %swap3A_223 {strides = array<i32>} : memref<128xi32, #tpu.memory_space<vmem>>, vector<16xi32>,
    %shift_right_arithmetic3A_224 = arith.constant 14 : i32
    %shift_right_arithmetic3A_225 = vector.broadcast %shift_right_arithmetic3A_224 : i32 to vector<16xi32>
    %shift_right_arithmetic3A_226 = arith.shrsi %get3A_216, %shift_right_arithmetic3A_225 : vector<16xi32>
    %swap3A_227 = arith.constant 112 : index
    %swap3A_228 = tpu.vector_load %arg11[%swap3A_227] {strides = array<i32>} : memref<128xi32, #tpu.memory_space<vmem>>, vector<16xi32>,
    %swap3A_229 = vector.shape_cast %swap3A_228 : vector<16xi32> to vector<16xi32>
    %swap3A_230 = vector.shape_cast %shift_right_arithmetic3A_226 : vector<16xi32> to vector<16xi32>
    tpu.vector_store %arg11[%swap3A_227], %swap3A_230 {strides = array<i32>} : memref<128xi32, #tpu.memory_space<vmem>>, vector<16xi32>,
    %dma_start3A_231 = arith.constant 0 : i32
    %dma_start3A_232 = arith.constant 0 : i32
    %dma_start3A_233 = tpu.memref_slice %arg2[%dma_start3A_231, %dma_start3A_232] : memref<10000x128xf32, #tpu.memory_space<hbm>> -> memref<10000x128xf32, #tpu.memory_space<hbm>>
    tpu.enqueue_indirect_dma source(%dma_start3A_233 : memref<10000x128xf32, #tpu.memory_space<hbm>>) target(%arg14 : memref<128x128xf32, #tpu.memory_space<vmem>>) offsets(%arg10 : memref<128xi32, #tpu.memory_space<vmem>>) semaphore(%arg20 : memref<!tpu.dma_semaphore, #tpu.memory_space<semaphore_mem>>)
    %scan3A = arith.constant 0 : i32
    %scan3A_234 = arith.constant 0 : i32
    %scan3A_235 = arith.constant 39 : i32
    %scan3A_236 = arith.addi %scan3A_234, %scan3A_235 : i32
    %scan3A_237 = arith.constant 1 : i32
    scf.for %scan3A_521 = %scan3A_234 to %scan3A_236 step %scan3A_237  : i32 {
      %mul3A_522 = arith.constant 2 : i32
      %mul3A_523 = arith.muli %mul3A_522, %scan3A_521 : i32
      %add3A_524 = arith.constant 1 : i32
      %add3A_525 = arith.addi %mul3A_523, %add3A_524 : i32
      %get3A_526 = arith.index_cast %add3A_525 : i32 to index
      %get3A_527 = arith.constant 0 : index
      %get3A_528 = tpu.vector_load %arg9[%get3A_526, %get3A_527] {strides = array<i32>} : memref<80x128xi32, #tpu.memory_space<vmem>>, vector<1x16xi32>,
      %get3A_529 = vector.shape_cast %get3A_528 : vector<1x16xi32> to vector<16xi32>
      %and3A_530 = arith.constant 16383 : i32
      %and3A_531 = vector.broadcast %and3A_530 : i32 to vector<16xi32>
      %and3A_532 = arith.andi %get3A_529, %and3A_531 : vector<16xi32>
      %swap3A_533 = arith.constant 0 : index
      %swap3A_534 = tpu.vector_load %arg12[%swap3A_533] {strides = array<i32>} : memref<128xi32, #tpu.memory_space<vmem>>, vector<16xi32>,
      %swap3A_535 = vector.shape_cast %swap3A_534 : vector<16xi32> to vector<16xi32>
      %swap3A_536 = vector.shape_cast %and3A_532 : vector<16xi32> to vector<16xi32>
      tpu.vector_store %arg12[%swap3A_533], %swap3A_536 {strides = array<i32>} : memref<128xi32, #tpu.memory_space<vmem>>, vector<16xi32>,
      %shift_right_arithmetic3A_537 = arith.constant 14 : i32
      %shift_right_arithmetic3A_538 = vector.broadcast %shift_right_arithmetic3A_537 : i32 to vector<16xi32>
      %shift_right_arithmetic3A_539 = arith.shrsi %get3A_529, %shift_right_arithmetic3A_538 : vector<16xi32>
      %swap3A_540 = arith.constant 0 : index
      %swap3A_541 = tpu.vector_load %arg13[%swap3A_540] {strides = array<i32>} : memref<128xi32, #tpu.memory_space<vmem>>, vector<16xi32>,
      %swap3A_542 = vector.shape_cast %swap3A_541 : vector<16xi32> to vector<16xi32>
      %swap3A_543 = vector.shape_cast %shift_right_arithmetic3A_539 : vector<16xi32> to vector<16xi32>
      tpu.vector_store %arg13[%swap3A_540], %swap3A_543 {strides = array<i32>} : memref<128xi32, #tpu.memory_space<vmem>>, vector<16xi32>,
      %get3A_544 = arith.index_cast %add3A_525 : i32 to index
      %get3A_545 = arith.constant 16 : index
      %get3A_546 = tpu.vector_load %arg9[%get3A_544, %get3A_545] {strides = array<i32>} : memref<80x128xi32, #tpu.memory_space<vmem>>, vector<1x16xi32>,
      %get3A_547 = vector.shape_cast %get3A_546 : vector<1x16xi32> to vector<16xi32>
      %and3A_548 = arith.constant 16383 : i32
      %and3A_549 = vector.broadcast %and3A_548 : i32 to vector<16xi32>
      %and3A_550 = arith.andi %get3A_547, %and3A_549 : vector<16xi32>
      %swap3A_551 = arith.constant 16 : index
      %swap3A_552 = tpu.vector_load %arg12[%swap3A_551] {strides = array<i32>} : memref<128xi32, #tpu.memory_space<vmem>>, vector<16xi32>,
      %swap3A_553 = vector.shape_cast %swap3A_552 : vector<16xi32> to vector<16xi32>
      %swap3A_554 = vector.shape_cast %and3A_550 : vector<16xi32> to vector<16xi32>
      tpu.vector_store %arg12[%swap3A_551], %swap3A_554 {strides = array<i32>} : memref<128xi32, #tpu.memory_space<vmem>>, vector<16xi32>,
      %shift_right_arithmetic3A_555 = arith.constant 14 : i32
      %shift_right_arithmetic3A_556 = vector.broadcast %shift_right_arithmetic3A_555 : i32 to vector<16xi32>
      %shift_right_arithmetic3A_557 = arith.shrsi %get3A_547, %shift_right_arithmetic3A_556 : vector<16xi32>
      %swap3A_558 = arith.constant 16 : index
      %swap3A_559 = tpu.vector_load %arg13[%swap3A_558] {strides = array<i32>} : memref<128xi32, #tpu.memory_space<vmem>>, vector<16xi32>,
      %swap3A_560 = vector.shape_cast %swap3A_559 : vector<16xi32> to vector<16xi32>
      %swap3A_561 = vector.shape_cast %shift_right_arithmetic3A_557 : vector<16xi32> to vector<16xi32>
      tpu.vector_store %arg13[%swap3A_558], %swap3A_561 {strides = array<i32>} : memref<128xi32, #tpu.memory_space<vmem>>, vector<16xi32>,
      %get3A_562 = arith.index_cast %add3A_525 : i32 to index
      %get3A_563 = arith.constant 32 : index
      %get3A_564 = tpu.vector_load %arg9[%get3A_562, %get3A_563] {strides = array<i32>} : memref<80x128xi32, #tpu.memory_space<vmem>>, vector<1x16xi32>,
      %get3A_565 = vector.shape_cast %get3A_564 : vector<1x16xi32> to vector<16xi32>
      %and3A_566 = arith.constant 16383 : i32
      %and3A_567 = vector.broadcast %and3A_566 : i32 to vector<16xi32>
      %and3A_568 = arith.andi %get3A_565, %and3A_567 : vector<16xi32>
      %swap3A_569 = arith.constant 32 : index
      %swap3A_570 = tpu.vector_load %arg12[%swap3A_569] {strides = array<i32>} : memref<128xi32, #tpu.memory_space<vmem>>, vector<16xi32>,
      %swap3A_571 = vector.shape_cast %swap3A_570 : vector<16xi32> to vector<16xi32>
      %swap3A_572 = vector.shape_cast %and3A_568 : vector<16xi32> to vector<16xi32>
      tpu.vector_store %arg12[%swap3A_569], %swap3A_572 {strides = array<i32>} : memref<128xi32, #tpu.memory_space<vmem>>, vector<16xi32>,
      %shift_right_arithmetic3A_573 = arith.constant 14 : i32
      %shift_right_arithmetic3A_574 = vector.broadcast %shift_right_arithmetic3A_573 : i32 to vector<16xi32>
      %shift_right_arithmetic3A_575 = arith.shrsi %get3A_565, %shift_right_arithmetic3A_574 : vector<16xi32>
      %swap3A_576 = arith.constant 32 : index
      %swap3A_577 = tpu.vector_load %arg13[%swap3A_576] {strides = array<i32>} : memref<128xi32, #tpu.memory_space<vmem>>, vector<16xi32>,
      %swap3A_578 = vector.shape_cast %swap3A_577 : vector<16xi32> to vector<16xi32>
      %swap3A_579 = vector.shape_cast %shift_right_arithmetic3A_575 : vector<16xi32> to vector<16xi32>
      tpu.vector_store %arg13[%swap3A_576], %swap3A_579 {strides = array<i32>} : memref<128xi32, #tpu.memory_space<vmem>>, vector<16xi32>,
      %get3A_580 = arith.index_cast %add3A_525 : i32 to index
      %get3A_581 = arith.constant 48 : index
      %get3A_582 = tpu.vector_load %arg9[%get3A_580, %get3A_581] {strides = array<i32>} : memref<80x128xi32, #tpu.memory_space<vmem>>, vector<1x16xi32>,
      %get3A_583 = vector.shape_cast %get3A_582 : vector<1x16xi32> to vector<16xi32>
      %and3A_584 = arith.constant 16383 : i32
      %and3A_585 = vector.broadcast %and3A_584 : i32 to vector<16xi32>
      %and3A_586 = arith.andi %get3A_583, %and3A_585 : vector<16xi32>
      %swap3A_587 = arith.constant 48 : index
      %swap3A_588 = tpu.vector_load %arg12[%swap3A_587] {strides = array<i32>} : memref<128xi32, #tpu.memory_space<vmem>>, vector<16xi32>,
      %swap3A_589 = vector.shape_cast %swap3A_588 : vector<16xi32> to vector<16xi32>
      %swap3A_590 = vector.shape_cast %and3A_586 : vector<16xi32> to vector<16xi32>
      tpu.vector_store %arg12[%swap3A_587], %swap3A_590 {strides = array<i32>} : memref<128xi32, #tpu.memory_space<vmem>>, vector<16xi32>,
      %shift_right_arithmetic3A_591 = arith.constant 14 : i32
      %shift_right_arithmetic3A_592 = vector.broadcast %shift_right_arithmetic3A_591 : i32 to vector<16xi32>
      %shift_right_arithmetic3A_593 = arith.shrsi %get3A_583, %shift_right_arithmetic3A_592 : vector<16xi32>
      %swap3A_594 = arith.constant 48 : index
      %swap3A_595 = tpu.vector_load %arg13[%swap3A_594] {strides = array<i32>} : memref<128xi32, #tpu.memory_space<vmem>>, vector<16xi32>,
      %swap3A_596 = vector.shape_cast %swap3A_595 : vector<16xi32> to vector<16xi32>
      %swap3A_597 = vector.shape_cast %shift_right_arithmetic3A_593 : vector<16xi32> to vector<16xi32>
      tpu.vector_store %arg13[%swap3A_594], %swap3A_597 {strides = array<i32>} : memref<128xi32, #tpu.memory_space<vmem>>, vector<16xi32>,
      %get3A_598 = arith.index_cast %add3A_525 : i32 to index
      %get3A_599 = arith.constant 64 : index
      %get3A_600 = tpu.vector_load %arg9[%get3A_598, %get3A_599] {strides = array<i32>} : memref<80x128xi32, #tpu.memory_space<vmem>>, vector<1x16xi32>,
      %get3A_601 = vector.shape_cast %get3A_600 : vector<1x16xi32> to vector<16xi32>
      %and3A_602 = arith.constant 16383 : i32
      %and3A_603 = vector.broadcast %and3A_602 : i32 to vector<16xi32>
      %and3A_604 = arith.andi %get3A_601, %and3A_603 : vector<16xi32>
      %swap3A_605 = arith.constant 64 : index
      %swap3A_606 = tpu.vector_load %arg12[%swap3A_605] {strides = array<i32>} : memref<128xi32, #tpu.memory_space<vmem>>, vector<16xi32>,
      %swap3A_607 = vector.shape_cast %swap3A_606 : vector<16xi32> to vector<16xi32>
      %swap3A_608 = vector.shape_cast %and3A_604 : vector<16xi32> to vector<16xi32>
      tpu.vector_store %arg12[%swap3A_605], %swap3A_608 {strides = array<i32>} : memref<128xi32, #tpu.memory_space<vmem>>, vector<16xi32>,
      %shift_right_arithmetic3A_609 = arith.constant 14 : i32
      %shift_right_arithmetic3A_610 = vector.broadcast %shift_right_arithmetic3A_609 : i32 to vector<16xi32>
      %shift_right_arithmetic3A_611 = arith.shrsi %get3A_601, %shift_right_arithmetic3A_610 : vector<16xi32>
      %swap3A_612 = arith.constant 64 : index
      %swap3A_613 = tpu.vector_load %arg13[%swap3A_612] {strides = array<i32>} : memref<128xi32, #tpu.memory_space<vmem>>, vector<16xi32>,
      %swap3A_614 = vector.shape_cast %swap3A_613 : vector<16xi32> to vector<16xi32>
      %swap3A_615 = vector.shape_cast %shift_right_arithmetic3A_611 : vector<16xi32> to vector<16xi32>
      tpu.vector_store %arg13[%swap3A_612], %swap3A_615 {strides = array<i32>} : memref<128xi32, #tpu.memory_space<vmem>>, vector<16xi32>,
      %get3A_616 = arith.index_cast %add3A_525 : i32 to index
      %get3A_617 = arith.constant 80 : index
      %get3A_618 = tpu.vector_load %arg9[%get3A_616, %get3A_617] {strides = array<i32>} : memref<80x128xi32, #tpu.memory_space<vmem>>, vector<1x16xi32>,
      %get3A_619 = vector.shape_cast %get3A_618 : vector<1x16xi32> to vector<16xi32>
      %and3A_620 = arith.constant 16383 : i32
      %and3A_621 = vector.broadcast %and3A_620 : i32 to vector<16xi32>
      %and3A_622 = arith.andi %get3A_619, %and3A_621 : vector<16xi32>
      %swap3A_623 = arith.constant 80 : index
      %swap3A_624 = tpu.vector_load %arg12[%swap3A_623] {strides = array<i32>} : memref<128xi32, #tpu.memory_space<vmem>>, vector<16xi32>,
      %swap3A_625 = vector.shape_cast %swap3A_624 : vector<16xi32> to vector<16xi32>
      %swap3A_626 = vector.shape_cast %and3A_622 : vector<16xi32> to vector<16xi32>
      tpu.vector_store %arg12[%swap3A_623], %swap3A_626 {strides = array<i32>} : memref<128xi32, #tpu.memory_space<vmem>>, vector<16xi32>,
      %shift_right_arithmetic3A_627 = arith.constant 14 : i32
      %shift_right_arithmetic3A_628 = vector.broadcast %shift_right_arithmetic3A_627 : i32 to vector<16xi32>
      %shift_right_arithmetic3A_629 = arith.shrsi %get3A_619, %shift_right_arithmetic3A_628 : vector<16xi32>
      %swap3A_630 = arith.constant 80 : index
      %swap3A_631 = tpu.vector_load %arg13[%swap3A_630] {strides = array<i32>} : memref<128xi32, #tpu.memory_space<vmem>>, vector<16xi32>,
      %swap3A_632 = vector.shape_cast %swap3A_631 : vector<16xi32> to vector<16xi32>
      %swap3A_633 = vector.shape_cast %shift_right_arithmetic3A_629 : vector<16xi32> to vector<16xi32>
      tpu.vector_store %arg13[%swap3A_630], %swap3A_633 {strides = array<i32>} : memref<128xi32, #tpu.memory_space<vmem>>, vector<16xi32>,
      %get3A_634 = arith.index_cast %add3A_525 : i32 to index
      %get3A_635 = arith.constant 96 : index
      %get3A_636 = tpu.vector_load %arg9[%get3A_634, %get3A_635] {strides = array<i32>} : memref<80x128xi32, #tpu.memory_space<vmem>>, vector<1x16xi32>,
      %get3A_637 = vector.shape_cast %get3A_636 : vector<1x16xi32> to vector<16xi32>
      %and3A_638 = arith.constant 16383 : i32
      %and3A_639 = vector.broadcast %and3A_638 : i32 to vector<16xi32>
      %and3A_640 = arith.andi %get3A_637, %and3A_639 : vector<16xi32>
      %swap3A_641 = arith.constant 96 : index
      %swap3A_642 = tpu.vector_load %arg12[%swap3A_641] {strides = array<i32>} : memref<128xi32, #tpu.memory_space<vmem>>, vector<16xi32>,
      %swap3A_643 = vector.shape_cast %swap3A_642 : vector<16xi32> to vector<16xi32>
      %swap3A_644 = vector.shape_cast %and3A_640 : vector<16xi32> to vector<16xi32>
      tpu.vector_store %arg12[%swap3A_641], %swap3A_644 {strides = array<i32>} : memref<128xi32, #tpu.memory_space<vmem>>, vector<16xi32>,
      %shift_right_arithmetic3A_645 = arith.constant 14 : i32
      %shift_right_arithmetic3A_646 = vector.broadcast %shift_right_arithmetic3A_645 : i32 to vector<16xi32>
      %shift_right_arithmetic3A_647 = arith.shrsi %get3A_637, %shift_right_arithmetic3A_646 : vector<16xi32>
      %swap3A_648 = arith.constant 96 : index
      %swap3A_649 = tpu.vector_load %arg13[%swap3A_648] {strides = array<i32>} : memref<128xi32, #tpu.memory_space<vmem>>, vector<16xi32>,
      %swap3A_650 = vector.shape_cast %swap3A_649 : vector<16xi32> to vector<16xi32>
      %swap3A_651 = vector.shape_cast %shift_right_arithmetic3A_647 : vector<16xi32> to vector<16xi32>
      tpu.vector_store %arg13[%swap3A_648], %swap3A_651 {strides = array<i32>} : memref<128xi32, #tpu.memory_space<vmem>>, vector<16xi32>,
      %get3A_652 = arith.index_cast %add3A_525 : i32 to index
      %get3A_653 = arith.constant 112 : index
      %get3A_654 = tpu.vector_load %arg9[%get3A_652, %get3A_653] {strides = array<i32>} : memref<80x128xi32, #tpu.memory_space<vmem>>, vector<1x16xi32>,
      %get3A_655 = vector.shape_cast %get3A_654 : vector<1x16xi32> to vector<16xi32>
      %and3A_656 = arith.constant 16383 : i32
      %and3A_657 = vector.broadcast %and3A_656 : i32 to vector<16xi32>
      %and3A_658 = arith.andi %get3A_655, %and3A_657 : vector<16xi32>
      %swap3A_659 = arith.constant 112 : index
      %swap3A_660 = tpu.vector_load %arg12[%swap3A_659] {strides = array<i32>} : memref<128xi32, #tpu.memory_space<vmem>>, vector<16xi32>,
      %swap3A_661 = vector.shape_cast %swap3A_660 : vector<16xi32> to vector<16xi32>
      %swap3A_662 = vector.shape_cast %and3A_658 : vector<16xi32> to vector<16xi32>
      tpu.vector_store %arg12[%swap3A_659], %swap3A_662 {strides = array<i32>} : memref<128xi32, #tpu.memory_space<vmem>>, vector<16xi32>,
      %shift_right_arithmetic3A_663 = arith.constant 14 : i32
      %shift_right_arithmetic3A_664 = vector.broadcast %shift_right_arithmetic3A_663 : i32 to vector<16xi32>
      %shift_right_arithmetic3A_665 = arith.shrsi %get3A_655, %shift_right_arithmetic3A_664 : vector<16xi32>
      %swap3A_666 = arith.constant 112 : index
      %swap3A_667 = tpu.vector_load %arg13[%swap3A_666] {strides = array<i32>} : memref<128xi32, #tpu.memory_space<vmem>>, vector<16xi32>,
      %swap3A_668 = vector.shape_cast %swap3A_667 : vector<16xi32> to vector<16xi32>
      %swap3A_669 = vector.shape_cast %shift_right_arithmetic3A_665 : vector<16xi32> to vector<16xi32>
      tpu.vector_store %arg13[%swap3A_666], %swap3A_669 {strides = array<i32>} : memref<128xi32, #tpu.memory_space<vmem>>, vector<16xi32>,
      %dma_start3A_670 = arith.constant 0 : i32
      %dma_start3A_671 = arith.constant 0 : i32
      %dma_start3A_672 = tpu.memref_slice %arg2[%dma_start3A_670, %dma_start3A_671] : memref<10000x128xf32, #tpu.memory_space<hbm>> -> memref<10000x128xf32, #tpu.memory_space<hbm>>
      tpu.enqueue_indirect_dma source(%dma_start3A_672 : memref<10000x128xf32, #tpu.memory_space<hbm>>) target(%arg15 : memref<128x128xf32, #tpu.memory_space<vmem>>) offsets(%arg12 : memref<128xi32, #tpu.memory_space<vmem>>) semaphore(%arg21 : memref<!tpu.dma_semaphore, #tpu.memory_space<semaphore_mem>>)
      %dma_wait3A_673 = arith.constant 0 : i32
      %dma_wait3A_674 = arith.constant 0 : i32
      %dma_wait3A_675 = tpu.memref_slice %arg2[%dma_wait3A_673, %dma_wait3A_674] : memref<10000x128xf32, #tpu.memory_space<hbm>> -> memref<10000x128xf32, #tpu.memory_space<hbm>>
      tpu.wait_indirect_dma semaphore(%arg20 : memref<!tpu.dma_semaphore, #tpu.memory_space<semaphore_mem>>) src(%dma_wait3A_675 : memref<10000x128xf32, #tpu.memory_space<hbm>>) dst(%arg14 : memref<128x128xf32, #tpu.memory_space<vmem>>)
      "tpu.region"() ({
        %run_scoped3A = tpu.sem_alloc : memref<!tpu.dma_semaphore, #tpu.memory_space<semaphore_mem>>
        %dma_start3A_828 = arith.constant 0 : i32
        %dma_start3A_829 = arith.constant 0 : i32
        %dma_start3A_830 = tpu.memref_slice %arg18[%dma_start3A_828, %dma_start3A_829] : memref<10240x128xf32, #tpu.memory_space<vmem_shared>> -> memref<10240x128xf32, #tpu.memory_space<vmem_shared>>
        tpu.enqueue_indirect_dma source(%arg14 : memref<128x128xf32, #tpu.memory_space<vmem>>) target(%dma_start3A_830 : memref<10240x128xf32, #tpu.memory_space<vmem_shared>>) offsets(%arg11 : memref<128xi32, #tpu.memory_space<vmem>>) semaphore(%run_scoped3A : memref<!tpu.dma_semaphore, #tpu.memory_space<semaphore_mem>>) {add = true}
        %dma_wait3A_831 = arith.constant 0 : i32
        %dma_wait3A_832 = arith.constant 0 : i32
        %dma_wait3A_833 = tpu.memref_slice %arg18[%dma_wait3A_831, %dma_wait3A_832] : memref<10240x128xf32, #tpu.memory_space<vmem_shared>> -> memref<10240x128xf32, #tpu.memory_space<vmem_shared>>
        tpu.wait_indirect_dma semaphore(%run_scoped3A : memref<!tpu.dma_semaphore, #tpu.memory_space<semaphore_mem>>) src(%arg14 : memref<128x128xf32, #tpu.memory_space<vmem>>) dst(%dma_wait3A_833 : memref<10240x128xf32, #tpu.memory_space<vmem_shared>>)
        tpu.yield
      }) : () -> ()
      "tpu.region"() ({
        %run_scoped3A = tpu.sem_alloc : memref<!tpu.dma_semaphore, #tpu.memory_space<semaphore_mem>>
        %dma_start3A_828 = arith.constant 0 : i32
        %dma_start3A_829 = tpu.memref_slice %arg19[%dma_start3A_828] : memref<10240xf32, #tpu.memory_space<vmem_shared>> -> memref<10240xf32, #tpu.memory_space<vmem_shared>>
        tpu.enqueue_indirect_dma source(%arg16 : memref<128xf32, #tpu.memory_space<vmem>>) target(%dma_start3A_829 : memref<10240xf32, #tpu.memory_space<vmem_shared>>) offsets(%arg11 : memref<128xi32, #tpu.memory_space<vmem>>) semaphore(%run_scoped3A : memref<!tpu.dma_semaphore, #tpu.memory_space<semaphore_mem>>) {add = true}
        %dma_wait3A_830 = arith.constant 0 : i32
        %dma_wait3A_831 = tpu.memref_slice %arg19[%dma_wait3A_830] : memref<10240xf32, #tpu.memory_space<vmem_shared>> -> memref<10240xf32, #tpu.memory_space<vmem_shared>>
        tpu.wait_indirect_dma semaphore(%run_scoped3A : memref<!tpu.dma_semaphore, #tpu.memory_space<semaphore_mem>>) src(%arg16 : memref<128xf32, #tpu.memory_space<vmem>>) dst(%dma_wait3A_831 : memref<10240xf32, #tpu.memory_space<vmem_shared>>)
        tpu.yield
      }) : () -> ()
      %add3A_676 = arith.constant 2 : i32
      %add3A_677 = arith.addi %mul3A_523, %add3A_676 : i32
      %get3A_678 = arith.index_cast %add3A_677 : i32 to index
      %get3A_679 = arith.constant 0 : index
      %get3A_680 = tpu.vector_load %arg9[%get3A_678, %get3A_679] {strides = array<i32>} : memref<80x128xi32, #tpu.memory_space<vmem>>, vector<1x16xi32>,
      %get3A_681 = vector.shape_cast %get3A_680 : vector<1x16xi32> to vector<16xi32>
      %and3A_682 = arith.constant 16383 : i32
      %and3A_683 = vector.broadcast %and3A_682 : i32 to vector<16xi32>
      %and3A_684 = arith.andi %get3A_681, %and3A_683 : vector<16xi32>
      %swap3A_685 = arith.constant 0 : index
      %swap3A_686 = tpu.vector_load %arg10[%swap3A_685] {strides = array<i32>} : memref<128xi32, #tpu.memory_space<vmem>>, vector<16xi32>,
      %swap3A_687 = vector.shape_cast %swap3A_686 : vector<16xi32> to vector<16xi32>
      %swap3A_688 = vector.shape_cast %and3A_684 : vector<16xi32> to vector<16xi32>
      tpu.vector_store %arg10[%swap3A_685], %swap3A_688 {strides = array<i32>} : memref<128xi32, #tpu.memory_space<vmem>>, vector<16xi32>,
      %shift_right_arithmetic3A_689 = arith.constant 14 : i32
      %shift_right_arithmetic3A_690 = vector.broadcast %shift_right_arithmetic3A_689 : i32 to vector<16xi32>
      %shift_right_arithmetic3A_691 = arith.shrsi %get3A_681, %shift_right_arithmetic3A_690 : vector<16xi32>
      %swap3A_692 = arith.constant 0 : index
      %swap3A_693 = tpu.vector_load %arg11[%swap3A_692] {strides = array<i32>} : memref<128xi32, #tpu.memory_space<vmem>>, vector<16xi32>,
      %swap3A_694 = vector.shape_cast %swap3A_693 : vector<16xi32> to vector<16xi32>
      %swap3A_695 = vector.shape_cast %shift_right_arithmetic3A_691 : vector<16xi32> to vector<16xi32>
      tpu.vector_store %arg11[%swap3A_692], %swap3A_695 {strides = array<i32>} : memref<128xi32, #tpu.memory_space<vmem>>, vector<16xi32>,
      %get3A_696 = arith.index_cast %add3A_677 : i32 to index
      %get3A_697 = arith.constant 16 : index
      %get3A_698 = tpu.vector_load %arg9[%get3A_696, %get3A_697] {strides = array<i32>} : memref<80x128xi32, #tpu.memory_space<vmem>>, vector<1x16xi32>,
      %get3A_699 = vector.shape_cast %get3A_698 : vector<1x16xi32> to vector<16xi32>
      %and3A_700 = arith.constant 16383 : i32
      %and3A_701 = vector.broadcast %and3A_700 : i32 to vector<16xi32>
      %and3A_702 = arith.andi %get3A_699, %and3A_701 : vector<16xi32>
      %swap3A_703 = arith.constant 16 : index
      %swap3A_704 = tpu.vector_load %arg10[%swap3A_703] {strides = array<i32>} : memref<128xi32, #tpu.memory_space<vmem>>, vector<16xi32>,
      %swap3A_705 = vector.shape_cast %swap3A_704 : vector<16xi32> to vector<16xi32>
      %swap3A_706 = vector.shape_cast %and3A_702 : vector<16xi32> to vector<16xi32>
      tpu.vector_store %arg10[%swap3A_703], %swap3A_706 {strides = array<i32>} : memref<128xi32, #tpu.memory_space<vmem>>, vector<16xi32>,
      %shift_right_arithmetic3A_707 = arith.constant 14 : i32
      %shift_right_arithmetic3A_708 = vector.broadcast %shift_right_arithmetic3A_707 : i32 to vector<16xi32>
      %shift_right_arithmetic3A_709 = arith.shrsi %get3A_699, %shift_right_arithmetic3A_708 : vector<16xi32>
      %swap3A_710 = arith.constant 16 : index
      %swap3A_711 = tpu.vector_load %arg11[%swap3A_710] {strides = array<i32>} : memref<128xi32, #tpu.memory_space<vmem>>, vector<16xi32>,
      %swap3A_712 = vector.shape_cast %swap3A_711 : vector<16xi32> to vector<16xi32>
      %swap3A_713 = vector.shape_cast %shift_right_arithmetic3A_709 : vector<16xi32> to vector<16xi32>
      tpu.vector_store %arg11[%swap3A_710], %swap3A_713 {strides = array<i32>} : memref<128xi32, #tpu.memory_space<vmem>>, vector<16xi32>,
      %get3A_714 = arith.index_cast %add3A_677 : i32 to index
      %get3A_715 = arith.constant 32 : index
      %get3A_716 = tpu.vector_load %arg9[%get3A_714, %get3A_715] {strides = array<i32>} : memref<80x128xi32, #tpu.memory_space<vmem>>, vector<1x16xi32>,
      %get3A_717 = vector.shape_cast %get3A_716 : vector<1x16xi32> to vector<16xi32>
      %and3A_718 = arith.constant 16383 : i32
      %and3A_719 = vector.broadcast %and3A_718 : i32 to vector<16xi32>
      %and3A_720 = arith.andi %get3A_717, %and3A_719 : vector<16xi32>
      %swap3A_721 = arith.constant 32 : index
      %swap3A_722 = tpu.vector_load %arg10[%swap3A_721] {strides = array<i32>} : memref<128xi32, #tpu.memory_space<vmem>>, vector<16xi32>,
      %swap3A_723 = vector.shape_cast %swap3A_722 : vector<16xi32> to vector<16xi32>
      %swap3A_724 = vector.shape_cast %and3A_720 : vector<16xi32> to vector<16xi32>
      tpu.vector_store %arg10[%swap3A_721], %swap3A_724 {strides = array<i32>} : memref<128xi32, #tpu.memory_space<vmem>>, vector<16xi32>,
      %shift_right_arithmetic3A_725 = arith.constant 14 : i32
      %shift_right_arithmetic3A_726 = vector.broadcast %shift_right_arithmetic3A_725 : i32 to vector<16xi32>
      %shift_right_arithmetic3A_727 = arith.shrsi %get3A_717, %shift_right_arithmetic3A_726 : vector<16xi32>
      %swap3A_728 = arith.constant 32 : index
      %swap3A_729 = tpu.vector_load %arg11[%swap3A_728] {strides = array<i32>} : memref<128xi32, #tpu.memory_space<vmem>>, vector<16xi32>,
      %swap3A_730 = vector.shape_cast %swap3A_729 : vector<16xi32> to vector<16xi32>
      %swap3A_731 = vector.shape_cast %shift_right_arithmetic3A_727 : vector<16xi32> to vector<16xi32>
      tpu.vector_store %arg11[%swap3A_728], %swap3A_731 {strides = array<i32>} : memref<128xi32, #tpu.memory_space<vmem>>, vector<16xi32>,
      %get3A_732 = arith.index_cast %add3A_677 : i32 to index
      %get3A_733 = arith.constant 48 : index
      %get3A_734 = tpu.vector_load %arg9[%get3A_732, %get3A_733] {strides = array<i32>} : memref<80x128xi32, #tpu.memory_space<vmem>>, vector<1x16xi32>,
      %get3A_735 = vector.shape_cast %get3A_734 : vector<1x16xi32> to vector<16xi32>
      %and3A_736 = arith.constant 16383 : i32
      %and3A_737 = vector.broadcast %and3A_736 : i32 to vector<16xi32>
      %and3A_738 = arith.andi %get3A_735, %and3A_737 : vector<16xi32>
      %swap3A_739 = arith.constant 48 : index
      %swap3A_740 = tpu.vector_load %arg10[%swap3A_739] {strides = array<i32>} : memref<128xi32, #tpu.memory_space<vmem>>, vector<16xi32>,
      %swap3A_741 = vector.shape_cast %swap3A_740 : vector<16xi32> to vector<16xi32>
      %swap3A_742 = vector.shape_cast %and3A_738 : vector<16xi32> to vector<16xi32>
      tpu.vector_store %arg10[%swap3A_739], %swap3A_742 {strides = array<i32>} : memref<128xi32, #tpu.memory_space<vmem>>, vector<16xi32>,
      %shift_right_arithmetic3A_743 = arith.constant 14 : i32
      %shift_right_arithmetic3A_744 = vector.broadcast %shift_right_arithmetic3A_743 : i32 to vector<16xi32>
      %shift_right_arithmetic3A_745 = arith.shrsi %get3A_735, %shift_right_arithmetic3A_744 : vector<16xi32>
      %swap3A_746 = arith.constant 48 : index
      %swap3A_747 = tpu.vector_load %arg11[%swap3A_746] {strides = array<i32>} : memref<128xi32, #tpu.memory_space<vmem>>, vector<16xi32>,
      %swap3A_748 = vector.shape_cast %swap3A_747 : vector<16xi32> to vector<16xi32>
      %swap3A_749 = vector.shape_cast %shift_right_arithmetic3A_745 : vector<16xi32> to vector<16xi32>
      tpu.vector_store %arg11[%swap3A_746], %swap3A_749 {strides = array<i32>} : memref<128xi32, #tpu.memory_space<vmem>>, vector<16xi32>,
      %get3A_750 = arith.index_cast %add3A_677 : i32 to index
      %get3A_751 = arith.constant 64 : index
      %get3A_752 = tpu.vector_load %arg9[%get3A_750, %get3A_751] {strides = array<i32>} : memref<80x128xi32, #tpu.memory_space<vmem>>, vector<1x16xi32>,
      %get3A_753 = vector.shape_cast %get3A_752 : vector<1x16xi32> to vector<16xi32>
      %and3A_754 = arith.constant 16383 : i32
      %and3A_755 = vector.broadcast %and3A_754 : i32 to vector<16xi32>
      %and3A_756 = arith.andi %get3A_753, %and3A_755 : vector<16xi32>
      %swap3A_757 = arith.constant 64 : index
      %swap3A_758 = tpu.vector_load %arg10[%swap3A_757] {strides = array<i32>} : memref<128xi32, #tpu.memory_space<vmem>>, vector<16xi32>,
      %swap3A_759 = vector.shape_cast %swap3A_758 : vector<16xi32> to vector<16xi32>
      %swap3A_760 = vector.shape_cast %and3A_756 : vector<16xi32> to vector<16xi32>
      tpu.vector_store %arg10[%swap3A_757], %swap3A_760 {strides = array<i32>} : memref<128xi32, #tpu.memory_space<vmem>>, vector<16xi32>,
      %shift_right_arithmetic3A_761 = arith.constant 14 : i32
      %shift_right_arithmetic3A_762 = vector.broadcast %shift_right_arithmetic3A_761 : i32 to vector<16xi32>
      %shift_right_arithmetic3A_763 = arith.shrsi %get3A_753, %shift_right_arithmetic3A_762 : vector<16xi32>
      %swap3A_764 = arith.constant 64 : index
      %swap3A_765 = tpu.vector_load %arg11[%swap3A_764] {strides = array<i32>} : memref<128xi32, #tpu.memory_space<vmem>>, vector<16xi32>,
      %swap3A_766 = vector.shape_cast %swap3A_765 : vector<16xi32> to vector<16xi32>
      %swap3A_767 = vector.shape_cast %shift_right_arithmetic3A_763 : vector<16xi32> to vector<16xi32>
      tpu.vector_store %arg11[%swap3A_764], %swap3A_767 {strides = array<i32>} : memref<128xi32, #tpu.memory_space<vmem>>, vector<16xi32>,
      %get3A_768 = arith.index_cast %add3A_677 : i32 to index
      %get3A_769 = arith.constant 80 : index
      %get3A_770 = tpu.vector_load %arg9[%get3A_768, %get3A_769] {strides = array<i32>} : memref<80x128xi32, #tpu.memory_space<vmem>>, vector<1x16xi32>,
      %get3A_771 = vector.shape_cast %get3A_770 : vector<1x16xi32> to vector<16xi32>
      %and3A_772 = arith.constant 16383 : i32
      %and3A_773 = vector.broadcast %and3A_772 : i32 to vector<16xi32>
      %and3A_774 = arith.andi %get3A_771, %and3A_773 : vector<16xi32>
      %swap3A_775 = arith.constant 80 : index
      %swap3A_776 = tpu.vector_load %arg10[%swap3A_775] {strides = array<i32>} : memref<128xi32, #tpu.memory_space<vmem>>, vector<16xi32>,
      %swap3A_777 = vector.shape_cast %swap3A_776 : vector<16xi32> to vector<16xi32>
      %swap3A_778 = vector.shape_cast %and3A_774 : vector<16xi32> to vector<16xi32>
      tpu.vector_store %arg10[%swap3A_775], %swap3A_778 {strides = array<i32>} : memref<128xi32, #tpu.memory_space<vmem>>, vector<16xi32>,
      %shift_right_arithmetic3A_779 = arith.constant 14 : i32
      %shift_right_arithmetic3A_780 = vector.broadcast %shift_right_arithmetic3A_779 : i32 to vector<16xi32>
      %shift_right_arithmetic3A_781 = arith.shrsi %get3A_771, %shift_right_arithmetic3A_780 : vector<16xi32>
      %swap3A_782 = arith.constant 80 : index
      %swap3A_783 = tpu.vector_load %arg11[%swap3A_782] {strides = array<i32>} : memref<128xi32, #tpu.memory_space<vmem>>, vector<16xi32>,
      %swap3A_784 = vector.shape_cast %swap3A_783 : vector<16xi32> to vector<16xi32>
      %swap3A_785 = vector.shape_cast %shift_right_arithmetic3A_781 : vector<16xi32> to vector<16xi32>
      tpu.vector_store %arg11[%swap3A_782], %swap3A_785 {strides = array<i32>} : memref<128xi32, #tpu.memory_space<vmem>>, vector<16xi32>,
      %get3A_786 = arith.index_cast %add3A_677 : i32 to index
      %get3A_787 = arith.constant 96 : index
      %get3A_788 = tpu.vector_load %arg9[%get3A_786, %get3A_787] {strides = array<i32>} : memref<80x128xi32, #tpu.memory_space<vmem>>, vector<1x16xi32>,
      %get3A_789 = vector.shape_cast %get3A_788 : vector<1x16xi32> to vector<16xi32>
      %and3A_790 = arith.constant 16383 : i32
      %and3A_791 = vector.broadcast %and3A_790 : i32 to vector<16xi32>
      %and3A_792 = arith.andi %get3A_789, %and3A_791 : vector<16xi32>
      %swap3A_793 = arith.constant 96 : index
      %swap3A_794 = tpu.vector_load %arg10[%swap3A_793] {strides = array<i32>} : memref<128xi32, #tpu.memory_space<vmem>>, vector<16xi32>,
      %swap3A_795 = vector.shape_cast %swap3A_794 : vector<16xi32> to vector<16xi32>
      %swap3A_796 = vector.shape_cast %and3A_792 : vector<16xi32> to vector<16xi32>
      tpu.vector_store %arg10[%swap3A_793], %swap3A_796 {strides = array<i32>} : memref<128xi32, #tpu.memory_space<vmem>>, vector<16xi32>,
      %shift_right_arithmetic3A_797 = arith.constant 14 : i32
      %shift_right_arithmetic3A_798 = vector.broadcast %shift_right_arithmetic3A_797 : i32 to vector<16xi32>
      %shift_right_arithmetic3A_799 = arith.shrsi %get3A_789, %shift_right_arithmetic3A_798 : vector<16xi32>
      %swap3A_800 = arith.constant 96 : index
      %swap3A_801 = tpu.vector_load %arg11[%swap3A_800] {strides = array<i32>} : memref<128xi32, #tpu.memory_space<vmem>>, vector<16xi32>,
      %swap3A_802 = vector.shape_cast %swap3A_801 : vector<16xi32> to vector<16xi32>
      %swap3A_803 = vector.shape_cast %shift_right_arithmetic3A_799 : vector<16xi32> to vector<16xi32>
      tpu.vector_store %arg11[%swap3A_800], %swap3A_803 {strides = array<i32>} : memref<128xi32, #tpu.memory_space<vmem>>, vector<16xi32>,
      %get3A_804 = arith.index_cast %add3A_677 : i32 to index
      %get3A_805 = arith.constant 112 : index
      %get3A_806 = tpu.vector_load %arg9[%get3A_804, %get3A_805] {strides = array<i32>} : memref<80x128xi32, #tpu.memory_space<vmem>>, vector<1x16xi32>,
      %get3A_807 = vector.shape_cast %get3A_806 : vector<1x16xi32> to vector<16xi32>
      %and3A_808 = arith.constant 16383 : i32
      %and3A_809 = vector.broadcast %and3A_808 : i32 to vector<16xi32>
      %and3A_810 = arith.andi %get3A_807, %and3A_809 : vector<16xi32>
      %swap3A_811 = arith.constant 112 : index
      %swap3A_812 = tpu.vector_load %arg10[%swap3A_811] {strides = array<i32>} : memref<128xi32, #tpu.memory_space<vmem>>, vector<16xi32>,
      %swap3A_813 = vector.shape_cast %swap3A_812 : vector<16xi32> to vector<16xi32>
      %swap3A_814 = vector.shape_cast %and3A_810 : vector<16xi32> to vector<16xi32>
      tpu.vector_store %arg10[%swap3A_811], %swap3A_814 {strides = array<i32>} : memref<128xi32, #tpu.memory_space<vmem>>, vector<16xi32>,
      %shift_right_arithmetic3A_815 = arith.constant 14 : i32
      %shift_right_arithmetic3A_816 = vector.broadcast %shift_right_arithmetic3A_815 : i32 to vector<16xi32>
      %shift_right_arithmetic3A_817 = arith.shrsi %get3A_807, %shift_right_arithmetic3A_816 : vector<16xi32>
      %swap3A_818 = arith.constant 112 : index
      %swap3A_819 = tpu.vector_load %arg11[%swap3A_818] {strides = array<i32>} : memref<128xi32, #tpu.memory_space<vmem>>, vector<16xi32>,
      %swap3A_820 = vector.shape_cast %swap3A_819 : vector<16xi32> to vector<16xi32>
      %swap3A_821 = vector.shape_cast %shift_right_arithmetic3A_817 : vector<16xi32> to vector<16xi32>
      tpu.vector_store %arg11[%swap3A_818], %swap3A_821 {strides = array<i32>} : memref<128xi32, #tpu.memory_space<vmem>>, vector<16xi32>,
      %dma_start3A_822 = arith.constant 0 : i32
      %dma_start3A_823 = arith.constant 0 : i32
      %dma_start3A_824 = tpu.memref_slice %arg2[%dma_start3A_822, %dma_start3A_823] : memref<10000x128xf32, #tpu.memory_space<hbm>> -> memref<10000x128xf32, #tpu.memory_space<hbm>>
      tpu.enqueue_indirect_dma source(%dma_start3A_824 : memref<10000x128xf32, #tpu.memory_space<hbm>>) target(%arg14 : memref<128x128xf32, #tpu.memory_space<vmem>>) offsets(%arg10 : memref<128xi32, #tpu.memory_space<vmem>>) semaphore(%arg20 : memref<!tpu.dma_semaphore, #tpu.memory_space<semaphore_mem>>)
      %dma_wait3A_825 = arith.constant 0 : i32
      %dma_wait3A_826 = arith.constant 0 : i32
      %dma_wait3A_827 = tpu.memref_slice %arg2[%dma_wait3A_825, %dma_wait3A_826] : memref<10000x128xf32, #tpu.memory_space<hbm>> -> memref<10000x128xf32, #tpu.memory_space<hbm>>
      tpu.wait_indirect_dma semaphore(%arg21 : memref<!tpu.dma_semaphore, #tpu.memory_space<semaphore_mem>>) src(%dma_wait3A_827 : memref<10000x128xf32, #tpu.memory_space<hbm>>) dst(%arg15 : memref<128x128xf32, #tpu.memory_space<vmem>>)
      "tpu.region"() ({
        %run_scoped3A = tpu.sem_alloc : memref<!tpu.dma_semaphore, #tpu.memory_space<semaphore_mem>>
        %dma_start3A_828 = arith.constant 0 : i32
        %dma_start3A_829 = arith.constant 0 : i32
        %dma_start3A_830 = tpu.memref_slice %arg18[%dma_start3A_828, %dma_start3A_829] : memref<10240x128xf32, #tpu.memory_space<vmem_shared>> -> memref<10240x128xf32, #tpu.memory_space<vmem_shared>>
        tpu.enqueue_indirect_dma source(%arg15 : memref<128x128xf32, #tpu.memory_space<vmem>>) target(%dma_start3A_830 : memref<10240x128xf32, #tpu.memory_space<vmem_shared>>) offsets(%arg13 : memref<128xi32, #tpu.memory_space<vmem>>) semaphore(%run_scoped3A : memref<!tpu.dma_semaphore, #tpu.memory_space<semaphore_mem>>) {add = true}
        %dma_wait3A_831 = arith.constant 0 : i32
        %dma_wait3A_832 = arith.constant 0 : i32
        %dma_wait3A_833 = tpu.memref_slice %arg18[%dma_wait3A_831, %dma_wait3A_832] : memref<10240x128xf32, #tpu.memory_space<vmem_shared>> -> memref<10240x128xf32, #tpu.memory_space<vmem_shared>>
        tpu.wait_indirect_dma semaphore(%run_scoped3A : memref<!tpu.dma_semaphore, #tpu.memory_space<semaphore_mem>>) src(%arg15 : memref<128x128xf32, #tpu.memory_space<vmem>>) dst(%dma_wait3A_833 : memref<10240x128xf32, #tpu.memory_space<vmem_shared>>)
        tpu.yield
      }) : () -> ()
      "tpu.region"() ({
        %run_scoped3A = tpu.sem_alloc : memref<!tpu.dma_semaphore, #tpu.memory_space<semaphore_mem>>
        %dma_start3A_828 = arith.constant 0 : i32
        %dma_start3A_829 = tpu.memref_slice %arg19[%dma_start3A_828] : memref<10240xf32, #tpu.memory_space<vmem_shared>> -> memref<10240xf32, #tpu.memory_space<vmem_shared>>
        tpu.enqueue_indirect_dma source(%arg16 : memref<128xf32, #tpu.memory_space<vmem>>) target(%dma_start3A_829 : memref<10240xf32, #tpu.memory_space<vmem_shared>>) offsets(%arg13 : memref<128xi32, #tpu.memory_space<vmem>>) semaphore(%run_scoped3A : memref<!tpu.dma_semaphore, #tpu.memory_space<semaphore_mem>>) {add = true}
        %dma_wait3A_830 = arith.constant 0 : i32
        %dma_wait3A_831 = tpu.memref_slice %arg19[%dma_wait3A_830] : memref<10240xf32, #tpu.memory_space<vmem_shared>> -> memref<10240xf32, #tpu.memory_space<vmem_shared>>
        tpu.wait_indirect_dma semaphore(%run_scoped3A : memref<!tpu.dma_semaphore, #tpu.memory_space<semaphore_mem>>) src(%arg16 : memref<128xf32, #tpu.memory_space<vmem>>) dst(%dma_wait3A_831 : memref<10240xf32, #tpu.memory_space<vmem_shared>>)
        tpu.yield
      }) : () -> ()
    }
    %scan3A_238 = arith.constant 39 : i32
    %get3A_239 = arith.constant 79 : i32
    %get3A_240 = arith.index_cast %get3A_239 : i32 to index
    %get3A_241 = arith.constant 0 : index
    %get3A_242 = tpu.vector_load %arg9[%get3A_240, %get3A_241] {strides = array<i32>} : memref<80x128xi32, #tpu.memory_space<vmem>>, vector<1x16xi32>,
    %get3A_243 = vector.shape_cast %get3A_242 : vector<1x16xi32> to vector<16xi32>
    %and3A_244 = arith.constant 16383 : i32
    %and3A_245 = vector.broadcast %and3A_244 : i32 to vector<16xi32>
    %and3A_246 = arith.andi %get3A_243, %and3A_245 : vector<16xi32>
    %swap3A_247 = arith.constant 0 : index
    %swap3A_248 = tpu.vector_load %arg12[%swap3A_247] {strides = array<i32>} : memref<128xi32, #tpu.memory_space<vmem>>, vector<16xi32>,
    %swap3A_249 = vector.shape_cast %swap3A_248 : vector<16xi32> to vector<16xi32>
    %swap3A_250 = vector.shape_cast %and3A_246 : vector<16xi32> to vector<16xi32>
    tpu.vector_store %arg12[%swap3A_247], %swap3A_250 {strides = array<i32>} : memref<128xi32, #tpu.memory_space<vmem>>, vector<16xi32>,
    %shift_right_arithmetic3A_251 = arith.constant 14 : i32
    %shift_right_arithmetic3A_252 = vector.broadcast %shift_right_arithmetic3A_251 : i32 to vector<16xi32>
    %shift_right_arithmetic3A_253 = arith.shrsi %get3A_243, %shift_right_arithmetic3A_252 : vector<16xi32>
    %swap3A_254 = arith.constant 0 : index
    %swap3A_255 = tpu.vector_load %arg13[%swap3A_254] {strides = array<i32>} : memref<128xi32, #tpu.memory_space<vmem>>, vector<16xi32>,
    %swap3A_256 = vector.shape_cast %swap3A_255 : vector<16xi32> to vector<16xi32>
    %swap3A_257 = vector.shape_cast %shift_right_arithmetic3A_253 : vector<16xi32> to vector<16xi32>
    tpu.vector_store %arg13[%swap3A_254], %swap3A_257 {strides = array<i32>} : memref<128xi32, #tpu.memory_space<vmem>>, vector<16xi32>,
    %get3A_258 = arith.constant 79 : i32
    %get3A_259 = arith.index_cast %get3A_258 : i32 to index
    %get3A_260 = arith.constant 16 : index
    %get3A_261 = tpu.vector_load %arg9[%get3A_259, %get3A_260] {strides = array<i32>} : memref<80x128xi32, #tpu.memory_space<vmem>>, vector<1x16xi32>,
    %get3A_262 = vector.shape_cast %get3A_261 : vector<1x16xi32> to vector<16xi32>
    %and3A_263 = arith.constant 16383 : i32
    %and3A_264 = vector.broadcast %and3A_263 : i32 to vector<16xi32>
    %and3A_265 = arith.andi %get3A_262, %and3A_264 : vector<16xi32>
    %swap3A_266 = arith.constant 16 : index
    %swap3A_267 = tpu.vector_load %arg12[%swap3A_266] {strides = array<i32>} : memref<128xi32, #tpu.memory_space<vmem>>, vector<16xi32>,
    %swap3A_268 = vector.shape_cast %swap3A_267 : vector<16xi32> to vector<16xi32>
    %swap3A_269 = vector.shape_cast %and3A_265 : vector<16xi32> to vector<16xi32>
    tpu.vector_store %arg12[%swap3A_266], %swap3A_269 {strides = array<i32>} : memref<128xi32, #tpu.memory_space<vmem>>, vector<16xi32>,
    %shift_right_arithmetic3A_270 = arith.constant 14 : i32
    %shift_right_arithmetic3A_271 = vector.broadcast %shift_right_arithmetic3A_270 : i32 to vector<16xi32>
    %shift_right_arithmetic3A_272 = arith.shrsi %get3A_262, %shift_right_arithmetic3A_271 : vector<16xi32>
    %swap3A_273 = arith.constant 16 : index
    %swap3A_274 = tpu.vector_load %arg13[%swap3A_273] {strides = array<i32>} : memref<128xi32, #tpu.memory_space<vmem>>, vector<16xi32>,
    %swap3A_275 = vector.shape_cast %swap3A_274 : vector<16xi32> to vector<16xi32>
    %swap3A_276 = vector.shape_cast %shift_right_arithmetic3A_272 : vector<16xi32> to vector<16xi32>
    tpu.vector_store %arg13[%swap3A_273], %swap3A_276 {strides = array<i32>} : memref<128xi32, #tpu.memory_space<vmem>>, vector<16xi32>,
    %get3A_277 = arith.constant 79 : i32
    %get3A_278 = arith.index_cast %get3A_277 : i32 to index
    %get3A_279 = arith.constant 32 : index
    %get3A_280 = tpu.vector_load %arg9[%get3A_278, %get3A_279] {strides = array<i32>} : memref<80x128xi32, #tpu.memory_space<vmem>>, vector<1x16xi32>,
    %get3A_281 = vector.shape_cast %get3A_280 : vector<1x16xi32> to vector<16xi32>
    %and3A_282 = arith.constant 16383 : i32
    %and3A_283 = vector.broadcast %and3A_282 : i32 to vector<16xi32>
    %and3A_284 = arith.andi %get3A_281, %and3A_283 : vector<16xi32>
    %swap3A_285 = arith.constant 32 : index
    %swap3A_286 = tpu.vector_load %arg12[%swap3A_285] {strides = array<i32>} : memref<128xi32, #tpu.memory_space<vmem>>, vector<16xi32>,
    %swap3A_287 = vector.shape_cast %swap3A_286 : vector<16xi32> to vector<16xi32>
    %swap3A_288 = vector.shape_cast %and3A_284 : vector<16xi32> to vector<16xi32>
    tpu.vector_store %arg12[%swap3A_285], %swap3A_288 {strides = array<i32>} : memref<128xi32, #tpu.memory_space<vmem>>, vector<16xi32>,
    %shift_right_arithmetic3A_289 = arith.constant 14 : i32
    %shift_right_arithmetic3A_290 = vector.broadcast %shift_right_arithmetic3A_289 : i32 to vector<16xi32>
    %shift_right_arithmetic3A_291 = arith.shrsi %get3A_281, %shift_right_arithmetic3A_290 : vector<16xi32>
    %swap3A_292 = arith.constant 32 : index
    %swap3A_293 = tpu.vector_load %arg13[%swap3A_292] {strides = array<i32>} : memref<128xi32, #tpu.memory_space<vmem>>, vector<16xi32>,
    %swap3A_294 = vector.shape_cast %swap3A_293 : vector<16xi32> to vector<16xi32>
    %swap3A_295 = vector.shape_cast %shift_right_arithmetic3A_291 : vector<16xi32> to vector<16xi32>
    tpu.vector_store %arg13[%swap3A_292], %swap3A_295 {strides = array<i32>} : memref<128xi32, #tpu.memory_space<vmem>>, vector<16xi32>,
    %get3A_296 = arith.constant 79 : i32
    %get3A_297 = arith.index_cast %get3A_296 : i32 to index
    %get3A_298 = arith.constant 48 : index
    %get3A_299 = tpu.vector_load %arg9[%get3A_297, %get3A_298] {strides = array<i32>} : memref<80x128xi32, #tpu.memory_space<vmem>>, vector<1x16xi32>,
    %get3A_300 = vector.shape_cast %get3A_299 : vector<1x16xi32> to vector<16xi32>
    %and3A_301 = arith.constant 16383 : i32
    %and3A_302 = vector.broadcast %and3A_301 : i32 to vector<16xi32>
    %and3A_303 = arith.andi %get3A_300, %and3A_302 : vector<16xi32>
    %swap3A_304 = arith.constant 48 : index
    %swap3A_305 = tpu.vector_load %arg12[%swap3A_304] {strides = array<i32>} : memref<128xi32, #tpu.memory_space<vmem>>, vector<16xi32>,
    %swap3A_306 = vector.shape_cast %swap3A_305 : vector<16xi32> to vector<16xi32>
    %swap3A_307 = vector.shape_cast %and3A_303 : vector<16xi32> to vector<16xi32>
    tpu.vector_store %arg12[%swap3A_304], %swap3A_307 {strides = array<i32>} : memref<128xi32, #tpu.memory_space<vmem>>, vector<16xi32>,
    %shift_right_arithmetic3A_308 = arith.constant 14 : i32
    %shift_right_arithmetic3A_309 = vector.broadcast %shift_right_arithmetic3A_308 : i32 to vector<16xi32>
    %shift_right_arithmetic3A_310 = arith.shrsi %get3A_300, %shift_right_arithmetic3A_309 : vector<16xi32>
    %swap3A_311 = arith.constant 48 : index
    %swap3A_312 = tpu.vector_load %arg13[%swap3A_311] {strides = array<i32>} : memref<128xi32, #tpu.memory_space<vmem>>, vector<16xi32>,
    %swap3A_313 = vector.shape_cast %swap3A_312 : vector<16xi32> to vector<16xi32>
    %swap3A_314 = vector.shape_cast %shift_right_arithmetic3A_310 : vector<16xi32> to vector<16xi32>
    tpu.vector_store %arg13[%swap3A_311], %swap3A_314 {strides = array<i32>} : memref<128xi32, #tpu.memory_space<vmem>>, vector<16xi32>,
    %get3A_315 = arith.constant 79 : i32
    %get3A_316 = arith.index_cast %get3A_315 : i32 to index
    %get3A_317 = arith.constant 64 : index
    %get3A_318 = tpu.vector_load %arg9[%get3A_316, %get3A_317] {strides = array<i32>} : memref<80x128xi32, #tpu.memory_space<vmem>>, vector<1x16xi32>,
    %get3A_319 = vector.shape_cast %get3A_318 : vector<1x16xi32> to vector<16xi32>
    %and3A_320 = arith.constant 16383 : i32
    %and3A_321 = vector.broadcast %and3A_320 : i32 to vector<16xi32>
    %and3A_322 = arith.andi %get3A_319, %and3A_321 : vector<16xi32>
    %swap3A_323 = arith.constant 64 : index
    %swap3A_324 = tpu.vector_load %arg12[%swap3A_323] {strides = array<i32>} : memref<128xi32, #tpu.memory_space<vmem>>, vector<16xi32>,
    %swap3A_325 = vector.shape_cast %swap3A_324 : vector<16xi32> to vector<16xi32>
    %swap3A_326 = vector.shape_cast %and3A_322 : vector<16xi32> to vector<16xi32>
    tpu.vector_store %arg12[%swap3A_323], %swap3A_326 {strides = array<i32>} : memref<128xi32, #tpu.memory_space<vmem>>, vector<16xi32>,
    %shift_right_arithmetic3A_327 = arith.constant 14 : i32
    %shift_right_arithmetic3A_328 = vector.broadcast %shift_right_arithmetic3A_327 : i32 to vector<16xi32>
    %shift_right_arithmetic3A_329 = arith.shrsi %get3A_319, %shift_right_arithmetic3A_328 : vector<16xi32>
    %swap3A_330 = arith.constant 64 : index
    %swap3A_331 = tpu.vector_load %arg13[%swap3A_330] {strides = array<i32>} : memref<128xi32, #tpu.memory_space<vmem>>, vector<16xi32>,
    %swap3A_332 = vector.shape_cast %swap3A_331 : vector<16xi32> to vector<16xi32>
    %swap3A_333 = vector.shape_cast %shift_right_arithmetic3A_329 : vector<16xi32> to vector<16xi32>
    tpu.vector_store %arg13[%swap3A_330], %swap3A_333 {strides = array<i32>} : memref<128xi32, #tpu.memory_space<vmem>>, vector<16xi32>,
    %get3A_334 = arith.constant 79 : i32
    %get3A_335 = arith.index_cast %get3A_334 : i32 to index
    %get3A_336 = arith.constant 80 : index
    %get3A_337 = tpu.vector_load %arg9[%get3A_335, %get3A_336] {strides = array<i32>} : memref<80x128xi32, #tpu.memory_space<vmem>>, vector<1x16xi32>,
    %get3A_338 = vector.shape_cast %get3A_337 : vector<1x16xi32> to vector<16xi32>
    %and3A_339 = arith.constant 16383 : i32
    %and3A_340 = vector.broadcast %and3A_339 : i32 to vector<16xi32>
    %and3A_341 = arith.andi %get3A_338, %and3A_340 : vector<16xi32>
    %swap3A_342 = arith.constant 80 : index
    %swap3A_343 = tpu.vector_load %arg12[%swap3A_342] {strides = array<i32>} : memref<128xi32, #tpu.memory_space<vmem>>, vector<16xi32>,
    %swap3A_344 = vector.shape_cast %swap3A_343 : vector<16xi32> to vector<16xi32>
    %swap3A_345 = vector.shape_cast %and3A_341 : vector<16xi32> to vector<16xi32>
    tpu.vector_store %arg12[%swap3A_342], %swap3A_345 {strides = array<i32>} : memref<128xi32, #tpu.memory_space<vmem>>, vector<16xi32>,
    %shift_right_arithmetic3A_346 = arith.constant 14 : i32
    %shift_right_arithmetic3A_347 = vector.broadcast %shift_right_arithmetic3A_346 : i32 to vector<16xi32>
    %shift_right_arithmetic3A_348 = arith.shrsi %get3A_338, %shift_right_arithmetic3A_347 : vector<16xi32>
    %swap3A_349 = arith.constant 80 : index
    %swap3A_350 = tpu.vector_load %arg13[%swap3A_349] {strides = array<i32>} : memref<128xi32, #tpu.memory_space<vmem>>, vector<16xi32>,
    %swap3A_351 = vector.shape_cast %swap3A_350 : vector<16xi32> to vector<16xi32>
    %swap3A_352 = vector.shape_cast %shift_right_arithmetic3A_348 : vector<16xi32> to vector<16xi32>
    tpu.vector_store %arg13[%swap3A_349], %swap3A_352 {strides = array<i32>} : memref<128xi32, #tpu.memory_space<vmem>>, vector<16xi32>,
    %get3A_353 = arith.constant 79 : i32
    %get3A_354 = arith.index_cast %get3A_353 : i32 to index
    %get3A_355 = arith.constant 96 : index
    %get3A_356 = tpu.vector_load %arg9[%get3A_354, %get3A_355] {strides = array<i32>} : memref<80x128xi32, #tpu.memory_space<vmem>>, vector<1x16xi32>,
    %get3A_357 = vector.shape_cast %get3A_356 : vector<1x16xi32> to vector<16xi32>
    %and3A_358 = arith.constant 16383 : i32
    %and3A_359 = vector.broadcast %and3A_358 : i32 to vector<16xi32>
    %and3A_360 = arith.andi %get3A_357, %and3A_359 : vector<16xi32>
    %swap3A_361 = arith.constant 96 : index
    %swap3A_362 = tpu.vector_load %arg12[%swap3A_361] {strides = array<i32>} : memref<128xi32, #tpu.memory_space<vmem>>, vector<16xi32>,
    %swap3A_363 = vector.shape_cast %swap3A_362 : vector<16xi32> to vector<16xi32>
    %swap3A_364 = vector.shape_cast %and3A_360 : vector<16xi32> to vector<16xi32>
    tpu.vector_store %arg12[%swap3A_361], %swap3A_364 {strides = array<i32>} : memref<128xi32, #tpu.memory_space<vmem>>, vector<16xi32>,
    %shift_right_arithmetic3A_365 = arith.constant 14 : i32
    %shift_right_arithmetic3A_366 = vector.broadcast %shift_right_arithmetic3A_365 : i32 to vector<16xi32>
    %shift_right_arithmetic3A_367 = arith.shrsi %get3A_357, %shift_right_arithmetic3A_366 : vector<16xi32>
    %swap3A_368 = arith.constant 96 : index
    %swap3A_369 = tpu.vector_load %arg13[%swap3A_368] {strides = array<i32>} : memref<128xi32, #tpu.memory_space<vmem>>, vector<16xi32>,
    %swap3A_370 = vector.shape_cast %swap3A_369 : vector<16xi32> to vector<16xi32>
    %swap3A_371 = vector.shape_cast %shift_right_arithmetic3A_367 : vector<16xi32> to vector<16xi32>
    tpu.vector_store %arg13[%swap3A_368], %swap3A_371 {strides = array<i32>} : memref<128xi32, #tpu.memory_space<vmem>>, vector<16xi32>,
    %get3A_372 = arith.constant 79 : i32
    %get3A_373 = arith.index_cast %get3A_372 : i32 to index
    %get3A_374 = arith.constant 112 : index
    %get3A_375 = tpu.vector_load %arg9[%get3A_373, %get3A_374] {strides = array<i32>} : memref<80x128xi32, #tpu.memory_space<vmem>>, vector<1x16xi32>,
    %get3A_376 = vector.shape_cast %get3A_375 : vector<1x16xi32> to vector<16xi32>
    %and3A_377 = arith.constant 16383 : i32
    %and3A_378 = vector.broadcast %and3A_377 : i32 to vector<16xi32>
    %and3A_379 = arith.andi %get3A_376, %and3A_378 : vector<16xi32>
    %swap3A_380 = arith.constant 112 : index
    %swap3A_381 = tpu.vector_load %arg12[%swap3A_380] {strides = array<i32>} : memref<128xi32, #tpu.memory_space<vmem>>, vector<16xi32>,
    %swap3A_382 = vector.shape_cast %swap3A_381 : vector<16xi32> to vector<16xi32>
    %swap3A_383 = vector.shape_cast %and3A_379 : vector<16xi32> to vector<16xi32>
    tpu.vector_store %arg12[%swap3A_380], %swap3A_383 {strides = array<i32>} : memref<128xi32, #tpu.memory_space<vmem>>, vector<16xi32>,
    %shift_right_arithmetic3A_384 = arith.constant 14 : i32
    %shift_right_arithmetic3A_385 = vector.broadcast %shift_right_arithmetic3A_384 : i32 to vector<16xi32>
    %shift_right_arithmetic3A_386 = arith.shrsi %get3A_376, %shift_right_arithmetic3A_385 : vector<16xi32>
    %swap3A_387 = arith.constant 112 : index
    %swap3A_388 = tpu.vector_load %arg13[%swap3A_387] {strides = array<i32>} : memref<128xi32, #tpu.memory_space<vmem>>, vector<16xi32>,
    %swap3A_389 = vector.shape_cast %swap3A_388 : vector<16xi32> to vector<16xi32>
    %swap3A_390 = vector.shape_cast %shift_right_arithmetic3A_386 : vector<16xi32> to vector<16xi32>
    tpu.vector_store %arg13[%swap3A_387], %swap3A_390 {strides = array<i32>} : memref<128xi32, #tpu.memory_space<vmem>>, vector<16xi32>,
    %dma_start3A_391 = arith.constant 0 : i32
    %dma_start3A_392 = arith.constant 0 : i32
    %dma_start3A_393 = tpu.memref_slice %arg2[%dma_start3A_391, %dma_start3A_392] : memref<10000x128xf32, #tpu.memory_space<hbm>> -> memref<10000x128xf32, #tpu.memory_space<hbm>>
    tpu.enqueue_indirect_dma source(%dma_start3A_393 : memref<10000x128xf32, #tpu.memory_space<hbm>>) target(%arg15 : memref<128x128xf32, #tpu.memory_space<vmem>>) offsets(%arg12 : memref<128xi32, #tpu.memory_space<vmem>>) semaphore(%arg21 : memref<!tpu.dma_semaphore, #tpu.memory_space<semaphore_mem>>)
    %dma_wait3A_394 = arith.constant 0 : i32
    %dma_wait3A_395 = arith.constant 0 : i32
    %dma_wait3A_396 = tpu.memref_slice %arg2[%dma_wait3A_394, %dma_wait3A_395] : memref<10000x128xf32, #tpu.memory_space<hbm>> -> memref<10000x128xf32, #tpu.memory_space<hbm>>
    tpu.wait_indirect_dma semaphore(%arg20 : memref<!tpu.dma_semaphore, #tpu.memory_space<semaphore_mem>>) src(%dma_wait3A_396 : memref<10000x128xf32, #tpu.memory_space<hbm>>) dst(%arg14 : memref<128x128xf32, #tpu.memory_space<vmem>>)
    "tpu.region"() ({
      %run_scoped3A = tpu.sem_alloc : memref<!tpu.dma_semaphore, #tpu.memory_space<semaphore_mem>>
      %dma_start3A_521 = arith.constant 0 : i32
      %dma_start3A_522 = arith.constant 0 : i32
      %dma_start3A_523 = tpu.memref_slice %arg18[%dma_start3A_521, %dma_start3A_522] : memref<10240x128xf32, #tpu.memory_space<vmem_shared>> -> memref<10240x128xf32, #tpu.memory_space<vmem_shared>>
      tpu.enqueue_indirect_dma source(%arg14 : memref<128x128xf32, #tpu.memory_space<vmem>>) target(%dma_start3A_523 : memref<10240x128xf32, #tpu.memory_space<vmem_shared>>) offsets(%arg11 : memref<128xi32, #tpu.memory_space<vmem>>) semaphore(%run_scoped3A : memref<!tpu.dma_semaphore, #tpu.memory_space<semaphore_mem>>) {add = true}
      %dma_wait3A_524 = arith.constant 0 : i32
      %dma_wait3A_525 = arith.constant 0 : i32
      %dma_wait3A_526 = tpu.memref_slice %arg18[%dma_wait3A_524, %dma_wait3A_525] : memref<10240x128xf32, #tpu.memory_space<vmem_shared>> -> memref<10240x128xf32, #tpu.memory_space<vmem_shared>>
      tpu.wait_indirect_dma semaphore(%run_scoped3A : memref<!tpu.dma_semaphore, #tpu.memory_space<semaphore_mem>>) src(%arg14 : memref<128x128xf32, #tpu.memory_space<vmem>>) dst(%dma_wait3A_526 : memref<10240x128xf32, #tpu.memory_space<vmem_shared>>)
      tpu.yield
    }) : () -> ()
    "tpu.region"() ({
      %run_scoped3A = tpu.sem_alloc : memref<!tpu.dma_semaphore, #tpu.memory_space<semaphore_mem>>
      %dma_start3A_521 = arith.constant 0 : i32
      %dma_start3A_522 = tpu.memref_slice %arg19[%dma_start3A_521] : memref<10240xf32, #tpu.memory_space<vmem_shared>> -> memref<10240xf32, #tpu.memory_space<vmem_shared>>
      tpu.enqueue_indirect_dma source(%arg16 : memref<128xf32, #tpu.memory_space<vmem>>) target(%dma_start3A_522 : memref<10240xf32, #tpu.memory_space<vmem_shared>>) offsets(%arg11 : memref<128xi32, #tpu.memory_space<vmem>>) semaphore(%run_scoped3A : memref<!tpu.dma_semaphore, #tpu.memory_space<semaphore_mem>>) {add = true}
      %dma_wait3A_523 = arith.constant 0 : i32
      %dma_wait3A_524 = tpu.memref_slice %arg19[%dma_wait3A_523] : memref<10240xf32, #tpu.memory_space<vmem_shared>> -> memref<10240xf32, #tpu.memory_space<vmem_shared>>
      tpu.wait_indirect_dma semaphore(%run_scoped3A : memref<!tpu.dma_semaphore, #tpu.memory_space<semaphore_mem>>) src(%arg16 : memref<128xf32, #tpu.memory_space<vmem>>) dst(%dma_wait3A_524 : memref<10240xf32, #tpu.memory_space<vmem_shared>>)
      tpu.yield
    }) : () -> ()
    %dma_wait3A_397 = arith.constant 0 : i32
    %dma_wait3A_398 = arith.constant 0 : i32
    %dma_wait3A_399 = tpu.memref_slice %arg2[%dma_wait3A_397, %dma_wait3A_398] : memref<10000x128xf32, #tpu.memory_space<hbm>> -> memref<10000x128xf32, #tpu.memory_space<hbm>>
    tpu.wait_indirect_dma semaphore(%arg21 : memref<!tpu.dma_semaphore, #tpu.memory_space<semaphore_mem>>) src(%dma_wait3A_399 : memref<10000x128xf32, #tpu.memory_space<hbm>>) dst(%arg15 : memref<128x128xf32, #tpu.memory_space<vmem>>)
    "tpu.region"() ({
      %run_scoped3A = tpu.sem_alloc : memref<!tpu.dma_semaphore, #tpu.memory_space<semaphore_mem>>
      %dma_start3A_521 = arith.constant 0 : i32
      %dma_start3A_522 = arith.constant 0 : i32
      %dma_start3A_523 = tpu.memref_slice %arg18[%dma_start3A_521, %dma_start3A_522] : memref<10240x128xf32, #tpu.memory_space<vmem_shared>> -> memref<10240x128xf32, #tpu.memory_space<vmem_shared>>
      tpu.enqueue_indirect_dma source(%arg15 : memref<128x128xf32, #tpu.memory_space<vmem>>) target(%dma_start3A_523 : memref<10240x128xf32, #tpu.memory_space<vmem_shared>>) offsets(%arg13 : memref<128xi32, #tpu.memory_space<vmem>>) semaphore(%run_scoped3A : memref<!tpu.dma_semaphore, #tpu.memory_space<semaphore_mem>>) {add = true}
      %dma_wait3A_524 = arith.constant 0 : i32
      %dma_wait3A_525 = arith.constant 0 : i32
      %dma_wait3A_526 = tpu.memref_slice %arg18[%dma_wait3A_524, %dma_wait3A_525] : memref<10240x128xf32, #tpu.memory_space<vmem_shared>> -> memref<10240x128xf32, #tpu.memory_space<vmem_shared>>
      tpu.wait_indirect_dma semaphore(%run_scoped3A : memref<!tpu.dma_semaphore, #tpu.memory_space<semaphore_mem>>) src(%arg15 : memref<128x128xf32, #tpu.memory_space<vmem>>) dst(%dma_wait3A_526 : memref<10240x128xf32, #tpu.memory_space<vmem_shared>>)
      tpu.yield
    }) : () -> ()
    "tpu.region"() ({
      %run_scoped3A = tpu.sem_alloc : memref<!tpu.dma_semaphore, #tpu.memory_space<semaphore_mem>>
      %dma_start3A_521 = arith.constant 0 : i32
      %dma_start3A_522 = tpu.memref_slice %arg19[%dma_start3A_521] : memref<10240xf32, #tpu.memory_space<vmem_shared>> -> memref<10240xf32, #tpu.memory_space<vmem_shared>>
      tpu.enqueue_indirect_dma source(%arg16 : memref<128xf32, #tpu.memory_space<vmem>>) target(%dma_start3A_522 : memref<10240xf32, #tpu.memory_space<vmem_shared>>) offsets(%arg13 : memref<128xi32, #tpu.memory_space<vmem>>) semaphore(%run_scoped3A : memref<!tpu.dma_semaphore, #tpu.memory_space<semaphore_mem>>) {add = true}
      %dma_wait3A_523 = arith.constant 0 : i32
      %dma_wait3A_524 = tpu.memref_slice %arg19[%dma_wait3A_523] : memref<10240xf32, #tpu.memory_space<vmem_shared>> -> memref<10240xf32, #tpu.memory_space<vmem_shared>>
      tpu.wait_indirect_dma semaphore(%run_scoped3A : memref<!tpu.dma_semaphore, #tpu.memory_space<semaphore_mem>>) src(%arg16 : memref<128xf32, #tpu.memory_space<vmem>>) dst(%dma_wait3A_524 : memref<10240xf32, #tpu.memory_space<vmem_shared>>)
      tpu.yield
    }) : () -> ()
    %barrier3A_400 = arith.constant 0 : index
    tpu.barrier barrier_id(%barrier3A_400)
    %add3A_401 = arith.constant 0 : i32
    %add3A_402 = arith.addi %mul3A_2, %add3A_401 : i32
    %add3A_403 = arith.constant 0 : i32
    %add3A_404 = arith.addi %mul3A_2, %add3A_403 : i32
    %dma_start3A_405 = arith.constant 0 : i32
    %dma_start3A_406 = tpu.memref_slice %arg7[%arg0, %add3A_404, %dma_start3A_405] : memref<2x10240x128xf32, #tpu.memory_space<hbm>> -> memref<1x128x128xf32, #tpu.memory_space<hbm>>
    %dma_start3A_407 = tpu.memref_squeeze %dma_start3A_406 : memref<1x128x128xf32, #tpu.memory_space<hbm>> -> memref<128x128xf32, #tpu.memory_space<hbm>>
    %dma_start3A_408 = arith.constant 0 : i32
    %dma_start3A_409 = tpu.memref_slice %arg18[%add3A_402, %dma_start3A_408] : memref<10240x128xf32, #tpu.memory_space<vmem_shared>> -> memref<128x128xf32, #tpu.memory_space<vmem_shared>>
    tpu.enqueue_dma source(%dma_start3A_409 : memref<128x128xf32, #tpu.memory_space<vmem_shared>>) target(%dma_start3A_407 : memref<128x128xf32, #tpu.memory_space<hbm>>) target_semaphore(%arg22 : memref<!tpu.dma_semaphore, #tpu.memory_space<semaphore_mem>>)
    %add3A_410 = arith.constant 0 : i32
    %add3A_411 = arith.addi %mul3A_2, %add3A_410 : i32
    %add3A_412 = arith.constant 0 : i32
    %add3A_413 = arith.addi %mul3A_2, %add3A_412 : i32
    %dma_start3A_414 = tpu.memref_slice %arg8[%arg0, %add3A_413] : memref<2x10240xf32, #tpu.memory_space<hbm>> -> memref<1x128xf32, #tpu.memory_space<hbm>>
    %dma_start3A_415 = tpu.memref_squeeze %dma_start3A_414 : memref<1x128xf32, #tpu.memory_space<hbm>> -> memref<128xf32, #tpu.memory_space<hbm>>
    %dma_start3A_416 = tpu.memref_slice %arg19[%add3A_411] : memref<10240xf32, #tpu.memory_space<vmem_shared>> -> memref<128xf32, #tpu.memory_space<vmem_shared>>
    tpu.enqueue_dma source(%dma_start3A_416 : memref<128xf32, #tpu.memory_space<vmem_shared>>) target(%dma_start3A_415 : memref<128xf32, #tpu.memory_space<hbm>>) target_semaphore(%arg22 : memref<!tpu.dma_semaphore, #tpu.memory_space<semaphore_mem>>)
    %add3A_417 = arith.constant 128 : i32
    %add3A_418 = arith.addi %mul3A_2, %add3A_417 : i32
    %add3A_419 = arith.constant 128 : i32
    %add3A_420 = arith.addi %mul3A_2, %add3A_419 : i32
    %dma_start3A_421 = arith.constant 0 : i32
    %dma_start3A_422 = tpu.memref_slice %arg7[%arg0, %add3A_420, %dma_start3A_421] : memref<2x10240x128xf32, #tpu.memory_space<hbm>> -> memref<1x128x128xf32, #tpu.memory_space<hbm>>
    %dma_start3A_423 = tpu.memref_squeeze %dma_start3A_422 : memref<1x128x128xf32, #tpu.memory_space<hbm>> -> memref<128x128xf32, #tpu.memory_space<hbm>>
    %dma_start3A_424 = arith.constant 0 : i32
    %dma_start3A_425 = tpu.memref_slice %arg18[%add3A_418, %dma_start3A_424] : memref<10240x128xf32, #tpu.memory_space<vmem_shared>> -> memref<128x128xf32, #tpu.memory_space<vmem_shared>>
    tpu.enqueue_dma source(%dma_start3A_425 : memref<128x128xf32, #tpu.memory_space<vmem_shared>>) target(%dma_start3A_423 : memref<128x128xf32, #tpu.memory_space<hbm>>) target_semaphore(%arg22 : memref<!tpu.dma_semaphore, #tpu.memory_space<semaphore_mem>>)
    %add3A_426 = arith.constant 128 : i32
    %add3A_427 = arith.addi %mul3A_2, %add3A_426 : i32
    %add3A_428 = arith.constant 128 : i32
    %add3A_429 = arith.addi %mul3A_2, %add3A_428 : i32
    %dma_start3A_430 = tpu.memref_slice %arg8[%arg0, %add3A_429] : memref<2x10240xf32, #tpu.memory_space<hbm>> -> memref<1x128xf32, #tpu.memory_space<hbm>>
    %dma_start3A_431 = tpu.memref_squeeze %dma_start3A_430 : memref<1x128xf32, #tpu.memory_space<hbm>> -> memref<128xf32, #tpu.memory_space<hbm>>
    %dma_start3A_432 = tpu.memref_slice %arg19[%add3A_427] : memref<10240xf32, #tpu.memory_space<vmem_shared>> -> memref<128xf32, #tpu.memory_space<vmem_shared>>
    tpu.enqueue_dma source(%dma_start3A_432 : memref<128xf32, #tpu.memory_space<vmem_shared>>) target(%dma_start3A_431 : memref<128xf32, #tpu.memory_space<hbm>>) target_semaphore(%arg22 : memref<!tpu.dma_semaphore, #tpu.memory_space<semaphore_mem>>)
    %add3A_433 = arith.constant 256 : i32
    %add3A_434 = arith.addi %mul3A_2, %add3A_433 : i32
    %add3A_435 = arith.constant 256 : i32
    %add3A_436 = arith.addi %mul3A_2, %add3A_435 : i32
    %dma_start3A_437 = arith.constant 0 : i32
    %dma_start3A_438 = tpu.memref_slice %arg7[%arg0, %add3A_436, %dma_start3A_437] : memref<2x10240x128xf32, #tpu.memory_space<hbm>> -> memref<1x128x128xf32, #tpu.memory_space<hbm>>
    %dma_start3A_439 = tpu.memref_squeeze %dma_start3A_438 : memref<1x128x128xf32, #tpu.memory_space<hbm>> -> memref<128x128xf32, #tpu.memory_space<hbm>>
    %dma_start3A_440 = arith.constant 0 : i32
    %dma_start3A_441 = tpu.memref_slice %arg18[%add3A_434, %dma_start3A_440] : memref<10240x128xf32, #tpu.memory_space<vmem_shared>> -> memref<128x128xf32, #tpu.memory_space<vmem_shared>>
    tpu.enqueue_dma source(%dma_start3A_441 : memref<128x128xf32, #tpu.memory_space<vmem_shared>>) target(%dma_start3A_439 : memref<128x128xf32, #tpu.memory_space<hbm>>) target_semaphore(%arg22 : memref<!tpu.dma_semaphore, #tpu.memory_space<semaphore_mem>>)
    %add3A_442 = arith.constant 256 : i32
    %add3A_443 = arith.addi %mul3A_2, %add3A_442 : i32
    %add3A_444 = arith.constant 256 : i32
    %add3A_445 = arith.addi %mul3A_2, %add3A_444 : i32
    %dma_start3A_446 = tpu.memref_slice %arg8[%arg0, %add3A_445] : memref<2x10240xf32, #tpu.memory_space<hbm>> -> memref<1x128xf32, #tpu.memory_space<hbm>>
    %dma_start3A_447 = tpu.memref_squeeze %dma_start3A_446 : memref<1x128xf32, #tpu.memory_space<hbm>> -> memref<128xf32, #tpu.memory_space<hbm>>
    %dma_start3A_448 = tpu.memref_slice %arg19[%add3A_443] : memref<10240xf32, #tpu.memory_space<vmem_shared>> -> memref<128xf32, #tpu.memory_space<vmem_shared>>
    tpu.enqueue_dma source(%dma_start3A_448 : memref<128xf32, #tpu.memory_space<vmem_shared>>) target(%dma_start3A_447 : memref<128xf32, #tpu.memory_space<hbm>>) target_semaphore(%arg22 : memref<!tpu.dma_semaphore, #tpu.memory_space<semaphore_mem>>)
    %add3A_449 = arith.constant 384 : i32
    %add3A_450 = arith.addi %mul3A_2, %add3A_449 : i32
    %add3A_451 = arith.constant 384 : i32
    %add3A_452 = arith.addi %mul3A_2, %add3A_451 : i32
    %dma_start3A_453 = arith.constant 0 : i32
    %dma_start3A_454 = tpu.memref_slice %arg7[%arg0, %add3A_452, %dma_start3A_453] : memref<2x10240x128xf32, #tpu.memory_space<hbm>> -> memref<1x128x128xf32, #tpu.memory_space<hbm>>
    %dma_start3A_455 = tpu.memref_squeeze %dma_start3A_454 : memref<1x128x128xf32, #tpu.memory_space<hbm>> -> memref<128x128xf32, #tpu.memory_space<hbm>>
    %dma_start3A_456 = arith.constant 0 : i32
    %dma_start3A_457 = tpu.memref_slice %arg18[%add3A_450, %dma_start3A_456] : memref<10240x128xf32, #tpu.memory_space<vmem_shared>> -> memref<128x128xf32, #tpu.memory_space<vmem_shared>>
    tpu.enqueue_dma source(%dma_start3A_457 : memref<128x128xf32, #tpu.memory_space<vmem_shared>>) target(%dma_start3A_455 : memref<128x128xf32, #tpu.memory_space<hbm>>) target_semaphore(%arg22 : memref<!tpu.dma_semaphore, #tpu.memory_space<semaphore_mem>>)
    %add3A_458 = arith.constant 384 : i32
    %add3A_459 = arith.addi %mul3A_2, %add3A_458 : i32
    %add3A_460 = arith.constant 384 : i32
    %add3A_461 = arith.addi %mul3A_2, %add3A_460 : i32
    %dma_start3A_462 = tpu.memref_slice %arg8[%arg0, %add3A_461] : memref<2x10240xf32, #tpu.memory_space<hbm>> -> memref<1x128xf32, #tpu.memory_space<hbm>>
    %dma_start3A_463 = tpu.memref_squeeze %dma_start3A_462 : memref<1x128xf32, #tpu.memory_space<hbm>> -> memref<128xf32, #tpu.memory_space<hbm>>
    %dma_start3A_464 = tpu.memref_slice %arg19[%add3A_459] : memref<10240xf32, #tpu.memory_space<vmem_shared>> -> memref<128xf32, #tpu.memory_space<vmem_shared>>
    tpu.enqueue_dma source(%dma_start3A_464 : memref<128xf32, #tpu.memory_space<vmem_shared>>) target(%dma_start3A_463 : memref<128xf32, #tpu.memory_space<hbm>>) target_semaphore(%arg22 : memref<!tpu.dma_semaphore, #tpu.memory_space<semaphore_mem>>)
    %add3A_465 = arith.constant 512 : i32
    %add3A_466 = arith.addi %mul3A_2, %add3A_465 : i32
    %add3A_467 = arith.constant 512 : i32
    %add3A_468 = arith.addi %mul3A_2, %add3A_467 : i32
    %dma_start3A_469 = arith.constant 0 : i32
    %dma_start3A_470 = tpu.memref_slice %arg7[%arg0, %add3A_468, %dma_start3A_469] : memref<2x10240x128xf32, #tpu.memory_space<hbm>> -> memref<1x128x128xf32, #tpu.memory_space<hbm>>
    %dma_start3A_471 = tpu.memref_squeeze %dma_start3A_470 : memref<1x128x128xf32, #tpu.memory_space<hbm>> -> memref<128x128xf32, #tpu.memory_space<hbm>>
    %dma_start3A_472 = arith.constant 0 : i32
    %dma_start3A_473 = tpu.memref_slice %arg18[%add3A_466, %dma_start3A_472] : memref<10240x128xf32, #tpu.memory_space<vmem_shared>> -> memref<128x128xf32, #tpu.memory_space<vmem_shared>>
    tpu.enqueue_dma source(%dma_start3A_473 : memref<128x128xf32, #tpu.memory_space<vmem_shared>>) target(%dma_start3A_471 : memref<128x128xf32, #tpu.memory_space<hbm>>) target_semaphore(%arg22 : memref<!tpu.dma_semaphore, #tpu.memory_space<semaphore_mem>>)
    %add3A_474 = arith.constant 512 : i32
    %add3A_475 = arith.addi %mul3A_2, %add3A_474 : i32
    %add3A_476 = arith.constant 512 : i32
    %add3A_477 = arith.addi %mul3A_2, %add3A_476 : i32
    %dma_start3A_478 = tpu.memref_slice %arg8[%arg0, %add3A_477] : memref<2x10240xf32, #tpu.memory_space<hbm>> -> memref<1x128xf32, #tpu.memory_space<hbm>>
    %dma_start3A_479 = tpu.memref_squeeze %dma_start3A_478 : memref<1x128xf32, #tpu.memory_space<hbm>> -> memref<128xf32, #tpu.memory_space<hbm>>
    %dma_start3A_480 = tpu.memref_slice %arg19[%add3A_475] : memref<10240xf32, #tpu.memory_space<vmem_shared>> -> memref<128xf32, #tpu.memory_space<vmem_shared>>
    tpu.enqueue_dma source(%dma_start3A_480 : memref<128xf32, #tpu.memory_space<vmem_shared>>) target(%dma_start3A_479 : memref<128xf32, #tpu.memory_space<hbm>>) target_semaphore(%arg22 : memref<!tpu.dma_semaphore, #tpu.memory_space<semaphore_mem>>)
    %dma_wait3A_481 = arith.constant 0 : i32
    %dma_wait3A_482 = tpu.memref_slice %arg7[%arg0, %mul3A_2, %dma_wait3A_481] : memref<2x10240x128xf32, #tpu.memory_space<hbm>> -> memref<1x128x128xf32, #tpu.memory_space<hbm>>
    %dma_wait3A_483 = tpu.memref_squeeze %dma_wait3A_482 : memref<1x128x128xf32, #tpu.memory_space<hbm>> -> memref<128x128xf32, #tpu.memory_space<hbm>>
    %dma_wait3A_484 = arith.constant 0 : i32
    %dma_wait3A_485 = tpu.memref_slice %arg18[%mul3A_2, %dma_wait3A_484] : memref<10240x128xf32, #tpu.memory_space<vmem_shared>> -> memref<128x128xf32, #tpu.memory_space<vmem_shared>>
    tpu.wait_dma2 semaphore(%arg22 : memref<!tpu.dma_semaphore, #tpu.memory_space<semaphore_mem>>) src(%dma_wait3A_485 : memref<128x128xf32, #tpu.memory_space<vmem_shared>>) dst(%dma_wait3A_483 : memref<128x128xf32, #tpu.memory_space<hbm>>)
    %dma_wait3A_486 = tpu.memref_slice %arg8[%arg0, %mul3A_2] : memref<2x10240xf32, #tpu.memory_space<hbm>> -> memref<1x128xf32, #tpu.memory_space<hbm>>
    %dma_wait3A_487 = tpu.memref_squeeze %dma_wait3A_486 : memref<1x128xf32, #tpu.memory_space<hbm>> -> memref<128xf32, #tpu.memory_space<hbm>>
    %dma_wait3A_488 = tpu.memref_slice %arg19[%mul3A_2] : memref<10240xf32, #tpu.memory_space<vmem_shared>> -> memref<128xf32, #tpu.memory_space<vmem_shared>>
    tpu.wait_dma2 semaphore(%arg22 : memref<!tpu.dma_semaphore, #tpu.memory_space<semaphore_mem>>) src(%dma_wait3A_488 : memref<128xf32, #tpu.memory_space<vmem_shared>>) dst(%dma_wait3A_487 : memref<128xf32, #tpu.memory_space<hbm>>)
    %dma_wait3A_489 = arith.constant 0 : i32
    %dma_wait3A_490 = tpu.memref_slice %arg7[%arg0, %mul3A_2, %dma_wait3A_489] : memref<2x10240x128xf32, #tpu.memory_space<hbm>> -> memref<1x128x128xf32, #tpu.memory_space<hbm>>
    %dma_wait3A_491 = tpu.memref_squeeze %dma_wait3A_490 : memref<1x128x128xf32, #tpu.memory_space<hbm>> -> memref<128x128xf32, #tpu.memory_space<hbm>>
    %dma_wait3A_492 = arith.constant 0 : i32
    %dma_wait3A_493 = tpu.memref_slice %arg18[%mul3A_2, %dma_wait3A_492] : memref<10240x128xf32, #tpu.memory_space<vmem_shared>> -> memref<128x128xf32, #tpu.memory_space<vmem_shared>>
    tpu.wait_dma2 semaphore(%arg22 : memref<!tpu.dma_semaphore, #tpu.memory_space<semaphore_mem>>) src(%dma_wait3A_493 : memref<128x128xf32, #tpu.memory_space<vmem_shared>>) dst(%dma_wait3A_491 : memref<128x128xf32, #tpu.memory_space<hbm>>)
    %dma_wait3A_494 = tpu.memref_slice %arg8[%arg0, %mul3A_2] : memref<2x10240xf32, #tpu.memory_space<hbm>> -> memref<1x128xf32, #tpu.memory_space<hbm>>
    %dma_wait3A_495 = tpu.memref_squeeze %dma_wait3A_494 : memref<1x128xf32, #tpu.memory_space<hbm>> -> memref<128xf32, #tpu.memory_space<hbm>>
    %dma_wait3A_496 = tpu.memref_slice %arg19[%mul3A_2] : memref<10240xf32, #tpu.memory_space<vmem_shared>> -> memref<128xf32, #tpu.memory_space<vmem_shared>>
    tpu.wait_dma2 semaphore(%arg22 : memref<!tpu.dma_semaphore, #tpu.memory_space<semaphore_mem>>) src(%dma_wait3A_496 : memref<128xf32, #tpu.memory_space<vmem_shared>>) dst(%dma_wait3A_495 : memref<128xf32, #tpu.memory_space<hbm>>)
    %dma_wait3A_497 = arith.constant 0 : i32
    %dma_wait3A_498 = tpu.memref_slice %arg7[%arg0, %mul3A_2, %dma_wait3A_497] : memref<2x10240x128xf32, #tpu.memory_space<hbm>> -> memref<1x128x128xf32, #tpu.memory_space<hbm>>
    %dma_wait3A_499 = tpu.memref_squeeze %dma_wait3A_498 : memref<1x128x128xf32, #tpu.memory_space<hbm>> -> memref<128x128xf32, #tpu.memory_space<hbm>>
    %dma_wait3A_500 = arith.constant 0 : i32
    %dma_wait3A_501 = tpu.memref_slice %arg18[%mul3A_2, %dma_wait3A_500] : memref<10240x128xf32, #tpu.memory_space<vmem_shared>> -> memref<128x128xf32, #tpu.memory_space<vmem_shared>>
    tpu.wait_dma2 semaphore(%arg22 : memref<!tpu.dma_semaphore, #tpu.memory_space<semaphore_mem>>) src(%dma_wait3A_501 : memref<128x128xf32, #tpu.memory_space<vmem_shared>>) dst(%dma_wait3A_499 : memref<128x128xf32, #tpu.memory_space<hbm>>)
    %dma_wait3A_502 = tpu.memref_slice %arg8[%arg0, %mul3A_2] : memref<2x10240xf32, #tpu.memory_space<hbm>> -> memref<1x128xf32, #tpu.memory_space<hbm>>
    %dma_wait3A_503 = tpu.memref_squeeze %dma_wait3A_502 : memref<1x128xf32, #tpu.memory_space<hbm>> -> memref<128xf32, #tpu.memory_space<hbm>>
    %dma_wait3A_504 = tpu.memref_slice %arg19[%mul3A_2] : memref<10240xf32, #tpu.memory_space<vmem_shared>> -> memref<128xf32, #tpu.memory_space<vmem_shared>>
    tpu.wait_dma2 semaphore(%arg22 : memref<!tpu.dma_semaphore, #tpu.memory_space<semaphore_mem>>) src(%dma_wait3A_504 : memref<128xf32, #tpu.memory_space<vmem_shared>>) dst(%dma_wait3A_503 : memref<128xf32, #tpu.memory_space<hbm>>)
    %dma_wait3A_505 = arith.constant 0 : i32
    %dma_wait3A_506 = tpu.memref_slice %arg7[%arg0, %mul3A_2, %dma_wait3A_505] : memref<2x10240x128xf32, #tpu.memory_space<hbm>> -> memref<1x128x128xf32, #tpu.memory_space<hbm>>
    %dma_wait3A_507 = tpu.memref_squeeze %dma_wait3A_506 : memref<1x128x128xf32, #tpu.memory_space<hbm>> -> memref<128x128xf32, #tpu.memory_space<hbm>>
    %dma_wait3A_508 = arith.constant 0 : i32
    %dma_wait3A_509 = tpu.memref_slice %arg18[%mul3A_2, %dma_wait3A_508] : memref<10240x128xf32, #tpu.memory_space<vmem_shared>> -> memref<128x128xf32, #tpu.memory_space<vmem_shared>>
    tpu.wait_dma2 semaphore(%arg22 : memref<!tpu.dma_semaphore, #tpu.memory_space<semaphore_mem>>) src(%dma_wait3A_509 : memref<128x128xf32, #tpu.memory_space<vmem_shared>>) dst(%dma_wait3A_507 : memref<128x128xf32, #tpu.memory_space<hbm>>)
    %dma_wait3A_510 = tpu.memref_slice %arg8[%arg0, %mul3A_2] : memref<2x10240xf32, #tpu.memory_space<hbm>> -> memref<1x128xf32, #tpu.memory_space<hbm>>
    %dma_wait3A_511 = tpu.memref_squeeze %dma_wait3A_510 : memref<1x128xf32, #tpu.memory_space<hbm>> -> memref<128xf32, #tpu.memory_space<hbm>>
    %dma_wait3A_512 = tpu.memref_slice %arg19[%mul3A_2] : memref<10240xf32, #tpu.memory_space<vmem_shared>> -> memref<128xf32, #tpu.memory_space<vmem_shared>>
    tpu.wait_dma2 semaphore(%arg22 : memref<!tpu.dma_semaphore, #tpu.memory_space<semaphore_mem>>) src(%dma_wait3A_512 : memref<128xf32, #tpu.memory_space<vmem_shared>>) dst(%dma_wait3A_511 : memref<128xf32, #tpu.memory_space<hbm>>)
    %dma_wait3A_513 = arith.constant 0 : i32
    %dma_wait3A_514 = tpu.memref_slice %arg7[%arg0, %mul3A_2, %dma_wait3A_513] : memref<2x10240x128xf32, #tpu.memory_space<hbm>> -> memref<1x128x128xf32, #tpu.memory_space<hbm>>
    %dma_wait3A_515 = tpu.memref_squeeze %dma_wait3A_514 : memref<1x128x128xf32, #tpu.memory_space<hbm>> -> memref<128x128xf32, #tpu.memory_space<hbm>>
    %dma_wait3A_516 = arith.constant 0 : i32
    %dma_wait3A_517 = tpu.memref_slice %arg18[%mul3A_2, %dma_wait3A_516] : memref<10240x128xf32, #tpu.memory_space<vmem_shared>> -> memref<128x128xf32, #tpu.memory_space<vmem_shared>>
    tpu.wait_dma2 semaphore(%arg22 : memref<!tpu.dma_semaphore, #tpu.memory_space<semaphore_mem>>) src(%dma_wait3A_517 : memref<128x128xf32, #tpu.memory_space<vmem_shared>>) dst(%dma_wait3A_515 : memref<128x128xf32, #tpu.memory_space<hbm>>)
    %dma_wait3A_518 = tpu.memref_slice %arg8[%arg0, %mul3A_2] : memref<2x10240xf32, #tpu.memory_space<hbm>> -> memref<1x128xf32, #tpu.memory_space<hbm>>
    %dma_wait3A_519 = tpu.memref_squeeze %dma_wait3A_518 : memref<1x128xf32, #tpu.memory_space<hbm>> -> memref<128xf32, #tpu.memory_space<hbm>>
    %dma_wait3A_520 = tpu.memref_slice %arg19[%mul3A_2] : memref<10240xf32, #tpu.memory_space<vmem_shared>> -> memref<128xf32, #tpu.memory_space<vmem_shared>>
    tpu.wait_dma2 semaphore(%arg22 : memref<!tpu.dma_semaphore, #tpu.memory_space<semaphore_mem>>) src(%dma_wait3A_520 : memref<128xf32, #tpu.memory_space<vmem_shared>>) dst(%dma_wait3A_519 : memref<128xf32, #tpu.memory_space<hbm>>)
    return
  }
}

module attributes {stable_mosaic.version = 14 : i64} {
  func.func @_epi_body(%arg0: memref<10000x128xf32, #tpu.memory_space<vmem>>, %arg1: memref<2x10240x128xf32, #tpu.memory_space<vmem>>, %arg2: memref<2x10240xf32, #tpu.memory_space<vmem>>, %arg3: memref<10000x128xf32, #tpu.memory_space<vmem>>) attributes {dimension_semantics = [], scalar_prefetch = 0 : i64, scratch_operands = 0 : i64, tpu.core_type = #tpu.core_type<tc>} {
    %get3A = arith.constant 0 : index
    %get3A_0 = arith.constant 0 : index
    %get3A_1 = vector.load %arg2[%get3A, %get3A_0] : memref<2x10240xf32, #tpu.memory_space<vmem>>, vector<1x10000xf32>
    %get3A_2 = vector.shape_cast %get3A_1 : vector<1x10000xf32> to vector<10000xf32>
    %get3A_3 = arith.constant 1 : index
    %get3A_4 = arith.constant 0 : index
    %get3A_5 = vector.load %arg2[%get3A_3, %get3A_4] : memref<2x10240xf32, #tpu.memory_space<vmem>>, vector<1x10000xf32>
    %get3A_6 = vector.shape_cast %get3A_5 : vector<1x10000xf32> to vector<10000xf32>
    %add3A = arith.addf %get3A_2, %get3A_6 : vector<10000xf32>
    %max3A = arith.constant 1.000000e+00 : f32
    %max3A_7 = vector.broadcast %max3A : f32 to vector<10000xf32>
    %max3A_8 = arith.maximumf %add3A, %max3A_7 : vector<10000xf32>
    %reshape3A = vector.shape_cast %max3A_8 : vector<10000xf32> to vector<10000x1xf32>
    %get3A_9 = arith.constant 0 : index
    %get3A_10 = arith.constant 0 : index
    %get3A_11 = arith.constant 0 : index
    %get3A_12 = vector.load %arg1[%get3A_9, %get3A_10, %get3A_11] : memref<2x10240x128xf32, #tpu.memory_space<vmem>>, vector<1x10000x128xf32>
    %get3A_13 = vector.shape_cast %get3A_12 : vector<1x10000x128xf32> to vector<10000x128xf32>
    %get3A_14 = arith.constant 1 : index
    %get3A_15 = arith.constant 0 : index
    %get3A_16 = arith.constant 0 : index
    %get3A_17 = vector.load %arg1[%get3A_14, %get3A_15, %get3A_16] : memref<2x10240x128xf32, #tpu.memory_space<vmem>>, vector<1x10000x128xf32>
    %get3A_18 = vector.shape_cast %get3A_17 : vector<1x10000x128xf32> to vector<10000x128xf32>
    %add3A_19 = arith.addf %get3A_13, %get3A_18 : vector<10000x128xf32>
    %div3A = vector.broadcast %reshape3A : vector<10000x1xf32> to vector<10000x128xf32>
    %div3A_20 = arith.divf %add3A_19, %div3A : vector<10000x128xf32>
    %get3A_21 = arith.constant 0 : index
    %get3A_22 = arith.constant 0 : index
    %get3A_23 = vector.load %arg0[%get3A_21, %get3A_22] : memref<10000x128xf32, #tpu.memory_space<vmem>>, vector<10000x128xf32>
    %mul3A = arith.constant 5.000000e-01 : f32
    %mul3A_24 = vector.broadcast %mul3A : f32 to vector<10000x128xf32>
    %mul3A_25 = arith.mulf %mul3A_24, %div3A_20 : vector<10000x128xf32>
    %add3A_26 = arith.addf %get3A_23, %mul3A_25 : vector<10000x128xf32>
    %swap3A = arith.constant 0 : index
    %swap3A_27 = arith.constant 0 : index
    %swap3A_28 = vector.load %arg3[%swap3A, %swap3A_27] : memref<10000x128xf32, #tpu.memory_space<vmem>>, vector<10000x128xf32>
    tpu.vector_store %arg3[%swap3A, %swap3A_27], %add3A_26 {strides = array<i32>} : memref<10000x128xf32, #tpu.memory_space<vmem>>, vector<10000x128xf32>,
    return
  }
}

module attributes {stable_mosaic.version = 14 : i64} {
  func.func @_pack_body(%arg0: memref<2x320000xi32, #tpu.memory_space<vmem>>, %arg1: memref<2560x128xi32, #tpu.memory_space<vmem>>) attributes {dimension_semantics = [], scalar_prefetch = 0 : i64, scratch_operands = 0 : i64, tpu.core_type = #tpu.core_type<tc>} {
    %get3A = arith.constant 0 : index
    %get3A_0 = arith.constant 0 : index
    %get3A_1 = vector.load %arg0[%get3A, %get3A_0] : memref<2x320000xi32, #tpu.memory_space<vmem>>, vector<1x320000xi32>
    %get3A_2 = vector.shape_cast %get3A_1 : vector<1x320000xi32> to vector<320000xi32>
    %reshape3A = vector.shape_cast %get3A_2 : vector<320000xi32> to vector<2500x128xi32>
    %get3A_3 = arith.constant 1 : index
    %get3A_4 = arith.constant 0 : index
    %get3A_5 = vector.load %arg0[%get3A_3, %get3A_4] : memref<2x320000xi32, #tpu.memory_space<vmem>>, vector<1x320000xi32>
    %get3A_6 = vector.shape_cast %get3A_5 : vector<1x320000xi32> to vector<320000xi32>
    %reshape3A_7 = vector.shape_cast %get3A_6 : vector<320000xi32> to vector<2500x128xi32>
    %shift_left3A = arith.constant 14 : i32
    %shift_left3A_8 = vector.broadcast %shift_left3A : i32 to vector<2500x128xi32>
    %shift_left3A_9 = arith.shli %reshape3A_7, %shift_left3A_8 : vector<2500x128xi32>
    %or3A = arith.ori %shift_left3A_9, %reshape3A : vector<2500x128xi32>
    %swap3A = arith.constant 0 : index
    %swap3A_10 = arith.constant 0 : index
    %swap3A_11 = vector.load %arg1[%swap3A, %swap3A_10] : memref<2560x128xi32, #tpu.memory_space<vmem>>, vector<2500x128xi32>
    tpu.vector_store %arg1[%swap3A, %swap3A_10], %or3A {strides = array<i32>} : memref<2560x128xi32, #tpu.memory_space<vmem>>, vector<2500x128xi32>,
    %iota3A = tpu.iota {dimensions = array<i32: 0>} : vector<60x128xi32>
    %iota3A_12 = tpu.iota {dimensions = array<i32: 1>} : vector<60x128xi32>
    %mul3A = arith.constant 128 : i32
    %mul3A_13 = vector.broadcast %mul3A : i32 to vector<60x128xi32>
    %mul3A_14 = arith.muli %iota3A, %mul3A_13 : vector<60x128xi32>
    %add3A = arith.addi %mul3A_14, %iota3A_12 : vector<60x128xi32>
    %jit3A = arith.constant 240 : i32
    %eq3A = arith.constant 0 : i32
    %eq3A_15 = arith.cmpi eq, %jit3A, %eq3A : i32
    %jit3A_16 = arith.constant 1 : i32
    %select_n3A = arith.select %eq3A_15, %jit3A_16, %jit3A : i32
    %rem3A = vector.broadcast %select_n3A : i32 to vector<60x128xi32>
    %rem3A_17 = arith.remsi %add3A, %rem3A : vector<60x128xi32>
    %ne3A = arith.constant 0 : i32
    %ne3A_18 = vector.broadcast %ne3A : i32 to vector<60x128xi32>
    %ne3A_19 = arith.cmpi ne, %rem3A_17, %ne3A_18 : vector<60x128xi32>
    %lt3A = arith.constant 0 : i32
    %lt3A_20 = vector.broadcast %lt3A : i32 to vector<60x128xi32>
    %lt3A_21 = arith.cmpi slt, %rem3A_17, %lt3A_20 : vector<60x128xi32>
    %lt3A_22 = arith.constant 0 : i32
    %lt3A_23 = arith.cmpi slt, %select_n3A, %lt3A_22 : i32
    %ne3A_24 = vector.broadcast %lt3A_23 : i1 to vector<60x128xi1>
    %ne3A_25 = vector.broadcast %ne3A_24 : vector<60x128xi1> to vector<60x128xi1>
    %ne3A_26 = arith.xori %lt3A_21, %ne3A_25 : vector<60x128xi1>
    %and3A = arith.andi %ne3A_26, %ne3A_19 : vector<60x128xi1>
    %add3A_27 = vector.broadcast %select_n3A : i32 to vector<60x128xi32>
    %add3A_28 = arith.addi %rem3A_17, %add3A_27 : vector<60x128xi32>
    %select_n3A_29 = arith.select %and3A, %add3A_28, %rem3A_17 : vector<60x128xi1>, vector<60x128xi32>
    %add3A_30 = arith.constant 10000 : i32
    %add3A_31 = vector.broadcast %add3A_30 : i32 to vector<60x128xi32>
    %add3A_32 = arith.addi %add3A_31, %select_n3A_29 : vector<60x128xi32>
    %shift_left3A_33 = arith.constant 14 : i32
    %shift_left3A_34 = vector.broadcast %shift_left3A_33 : i32 to vector<60x128xi32>
    %shift_left3A_35 = arith.shli %add3A_32, %shift_left3A_34 : vector<60x128xi32>
    %jit3A_36 = arith.constant 10000 : i32
    %eq3A_37 = arith.constant 0 : i32
    %eq3A_38 = arith.cmpi eq, %jit3A_36, %eq3A_37 : i32
    %jit3A_39 = arith.constant 1 : i32
    %select_n3A_40 = arith.select %eq3A_38, %jit3A_39, %jit3A_36 : i32
    %rem3A_41 = vector.broadcast %select_n3A_40 : i32 to vector<60x128xi32>
    %rem3A_42 = arith.remsi %add3A, %rem3A_41 : vector<60x128xi32>
    %ne3A_43 = arith.constant 0 : i32
    %ne3A_44 = vector.broadcast %ne3A_43 : i32 to vector<60x128xi32>
    %ne3A_45 = arith.cmpi ne, %rem3A_42, %ne3A_44 : vector<60x128xi32>
    %lt3A_46 = arith.constant 0 : i32
    %lt3A_47 = vector.broadcast %lt3A_46 : i32 to vector<60x128xi32>
    %lt3A_48 = arith.cmpi slt, %rem3A_42, %lt3A_47 : vector<60x128xi32>
    %lt3A_49 = arith.constant 0 : i32
    %lt3A_50 = arith.cmpi slt, %select_n3A_40, %lt3A_49 : i32
    %ne3A_51 = vector.broadcast %lt3A_50 : i1 to vector<60x128xi1>
    %ne3A_52 = vector.broadcast %ne3A_51 : vector<60x128xi1> to vector<60x128xi1>
    %ne3A_53 = arith.xori %lt3A_48, %ne3A_52 : vector<60x128xi1>
    %and3A_54 = arith.andi %ne3A_53, %ne3A_45 : vector<60x128xi1>
    %add3A_55 = vector.broadcast %select_n3A_40 : i32 to vector<60x128xi32>
    %add3A_56 = arith.addi %rem3A_42, %add3A_55 : vector<60x128xi32>
    %select_n3A_57 = arith.select %and3A_54, %add3A_56, %rem3A_42 : vector<60x128xi1>, vector<60x128xi32>
    %or3A_58 = arith.ori %shift_left3A_35, %select_n3A_57 : vector<60x128xi32>
    %swap3A_59 = arith.constant 2500 : index
    %swap3A_60 = arith.constant 0 : index
    %swap3A_61 = vector.load %arg1[%swap3A_59, %swap3A_60] : memref<2560x128xi32, #tpu.memory_space<vmem>>, vector<60x128xi32>
    tpu.vector_store %arg1[%swap3A_59, %swap3A_60], %or3A_58 {strides = array<i32>} : memref<2560x128xi32, #tpu.memory_space<vmem>>, vector<60x128xi32>,
    return
  }
}

</mosaic_0001>

<sc_bundles>
// kernel: kernel.5.cloned.1.call-start
scs
__scs_entry_jumppad:
0x0: {  	(pc) =	sbr.rel $0x88, $3  }
0x1: {  	(tag) =	ssettag $0x0;
	lr =	simm.s32 $0x1  }
0x2: {  	[smem:$0x3F9F] =	sst lr;
	_ =	strace $0xD0000000  }
0x3: {  	_ = 	snop  }
0x4: {  	_ = 	snop  }
0x5: {  	_ = 	snop  }
0x6: {  	_ = 	snop  }
0x7: {  	_ = 	snop  }
__scs_overlays_trampoline_lowered:
0x8: {  	[smem:$0x3FAE] =	sst s0  }
0x9: {  	[smem:$0x3FAF] =	sst s1  }
0xa: {  	[smem:$0x3FB0] =	sst s2  }
0xb: {  	[smem:$0x3FB1] =	sst s3  }
0xc: {  	[smem:$0x3FB2] =	sst s4  }
0xd: {  	[smem:$0x3FB3] =	sst s5  }
0xe: {  	[smem:$0x3FB4] =	sst s6  }
0xf: {  	[smem:$0x3FB5] =	sst s7  }
0x10: {  	[smem:$0x3FB6] =	sst s8  }
0x11: {  	[smem:$0x3FB7] =	sst s9;
	s0 =	simm.s32 @!p0 $0x0  }
0x12: {  	s1 =	sld [smem:$0x3F9D];
	s0 =	simm.s32 @p0 $0x1  }
0x13: {  	[smem:$0x3FB8] =	sst s0;
	s0 =	simm.s32 @!p1 $0x0  }
0x14: {  	s2 =	sld [smem:$0x3F9C];
	s0 =	simm.s32 @p1 $0x1  }
0x15: {  	[smem:$0x3FB9] =	sst s0;
	s0 =	simm.s32 @!p2 $0x0  }
0x16: {  	s3 =	sld [smem:$0x3FDB];
	s0 =	simm.s32 @p2 $0x1  }
0x17: {  	s4 =	simm.s32 $0x1BF5;
	[smem:$0x3FBB] =	sst s0  }
0x18: {  	s0 =	sld [smem:$0x3F9E];
	_ =	swait.ge [sflag:s4], $0x0  }
0x19: {  	s7 =	sld [smem:$0x3F9F]  }
0x1a: {  	s8 =	sadd.s32 $0xFFFFE003, lr  }
0x1b: {  	s9 =	sadd.s32 $0xFFFFFEF7, lr;
	s5 =	simm.s32 $0xFFFFFFFF;
	p2 =	slt.u32 s8, $0xFFFFF086  }
0x1c: {  	p1 =	slt.u32 s9, $0xF7A;
	s5 =	simm.s32 @!p2 $0x0  }
0x1d: {  	s5 =	simm.s32 @p1 $0x1;
	p0 =	seq.s32 s7, s2  }
0x1e: {  	s7 =	smul.u32 @!p0 $0xF7A, s2;
	p2 =	seq.s32 @!p0 s5, $0x0  }
0x1f: {  	s9 =	smul.u32 $0xF7A, s1;
	s8 =	simm.s32 @!p0 $0x1BF5;
	p2 =	por !p2, p0  }
0x20: {  	[sflag:s8] =	ssyncset.s32 @!p0 $0xFFFFF086;
	s6 =	sadd.s32 @!p0 s3, s7;
	s7 =	simm.s32 @!p0 $0x108  }
0x21: {  	s3 =	sadd.s32 s3, s9;
	s6 =	sadd.s32 @!p0 $0x88, s6;
	s7 =	simm.s32 @p2 $0x1082  }
0x22: {  	[simem:s7], [sflag:s8] =	dma.local @!p0 [hbm:s6], $0xF7A  }
0x23: {  	s9 =	sor.u32 $0xD0000000, s2;
	s6 =	simm.s32 $0x108;
	_ =	swait.ge @!p0 [sflag:s8], $0x0  }
0x24: {  	s3 =	sadd.s32 $0x88, s3;
	s6 =	simm.s32 @!p1 $0x1082;
	[sflag:s4] =	ssyncset.s32 $0xFFFFF086  }
0x25: {  	[simem:s6], [sflag:s4] =	dma.local [hbm:s3], $0xF7A  }
0x26: {  	[smem:$0x3F9F] =	sst s1;
	(tag) =	ssettag s2;
	_ =	strace s9  }
0x27: {  	s1 =	sld [smem:$0x3FAF]  }
0x28: {  	s2 =	sld [smem:$0x3FB0]  }
0x29: {  	s4 =	sld [smem:$0x3FB2]  }
0x2a: {  	p0 =	seq.s32 s5, $0x0;
	s5 =	sld [smem:$0x3FB3]  }
0x2b: {  	s6 =	sld [smem:$0x3FB4]  }
0x2c: {  	s7 =	sld [smem:$0x3FB5]  }
0x2d: {  	s3 =	simm.s32 $0x108;
	s8 =	sld [smem:$0x3FB6]  }
0x2e: {  	s3 =	simm.s32 @!p0 $0x1082;
	s9 =	sld [smem:$0x3FB7]  }
0x2f: {  	lr =	sadd.s32 s0, s3;
	s0 =	sld [smem:$0x3FAE]  }
0x30: {  	s3 =	sld [smem:$0x3FB1]  }
0x31: {  	[smem:$0x3FBA] =	sst s10  }
0x32: {  	s10 =	sld [smem:$0x3FB8];
	_ =	sdelay $0x3  }
0x33: {  	p0 =	seq.s32 s10, $0x1;
	s10 =	sld [smem:$0x3FBA];
	_ =	sdelay $0x3  }
0x34: {  	[smem:$0x3FBA] =	sst s10  }
0x35: {  	s10 =	sld [smem:$0x3FB9];
	_ =	sdelay $0x3  }
0x36: {  	p1 =	seq.s32 s10, $0x1;
	s10 =	sld [smem:$0x3FBA];
	_ =	sdelay $0x3  }
0x37: {  	[smem:$0x3FBA] =	sst s10  }
0x38: {  	s10 =	sld [smem:$0x3FBB]  }
0x39: {  	_ = 	snop;
	(pc) =	sbr.ind lr, $3  }
0x3a: {  	_ = 	snop  }
0x3b: {  	_ = 	snop  }
0x3c: {  	p2 =	seq.s32 s10, $0x1;
	s10 =	sld [smem:$0x3FBA]  }
0x3d: {  	_ =	shalt  }
0x3e: {  	_ =	shalt  }
0x3f: {  	_ =	shalt  }
0x40: {  	_ =	shalt  }
0x41: {  	_ =	shalt  }
0x42: {  	_ =	shalt  }
0x43: {  	_ =	shalt  }
0x44: {  	_ =	shalt  }
0x45: {  	_ =	shalt  }
0x46: {  	_ =	shalt  }
0x47: {  	_ =	shalt  }
0x48: {  	_ =	shalt  }
0x49: {  	_ =	shalt  }
0x4a: {  	_ =	shalt  }
0x4b: {  	_ =	shalt  }
0x4c: {  	_ =	shalt  }
0x4d: {  	_ =	shalt  }
0x4e: {  	_ =	shalt  }
0x4f: {  	_ =	shalt  }
0x50: {  	_ =	shalt  }
0x51: {  	_ =	shalt  }
0x52: {  	_ =	shalt  }
0x53: {  	_ =	shalt  }
0x54: {  	_ =	shalt  }
0x55: {  	_ =	shalt  }
0x56: {  	_ =	shalt  }
0x57: {  	_ =	shalt  }
0x58: {  	_ =	shalt  }
0x59: {  	_ =	shalt  }
0x5a: {  	_ =	shalt  }
0x5b: {  	_ =	shalt  }
0x5c: {  	_ =	shalt  }
0x5d: {  	_ =	shalt  }
0x5e: {  	_ =	shalt  }
0x5f: {  	_ =	shalt  }
0x60: {  	_ =	shalt  }
0x61: {  	_ =	shalt  }
0x62: {  	_ =	shalt  }
0x63: {  	_ =	shalt  }
0x64: {  	_ =	shalt  }
0x65: {  	_ =	shalt  }
0x66: {  	_ =	shalt  }
0x67: {  	_ =	shalt  }
0x68: {  	_ =	shalt  }
0x69: {  	_ =	shalt  }
0x6a: {  	_ =	shalt  }
0x6b: {  	_ =	shalt  }
0x6c: {  	_ =	shalt  }
0x6d: {  	_ =	shalt  }
0x6e: {  	_ =	shalt  }
0x6f: {  	_ =	shalt  }
0x70: {  	_ =	shalt  }
0x71: {  	_ =	shalt  }
0x72: {  	_ =	shalt  }
0x73: {  	_ =	shalt  }
0x74: {  	_ =	shalt  }
0x75: {  	_ =	shalt  }
0x76: {  	_ =	shalt  }
0x77: {  	_ =	shalt  }
0x78: {  	_ =	shalt  }
0x79: {  	_ =	shalt  }
0x7a: {  	_ =	shalt  }
0x7b: {  	_ =	shalt  }
0x7c: {  	_ =	shalt  }
0x7d: {  	_ =	shalt  }
0x7e: {  	_ =	shalt  }
0x7f: {  	_ =	shalt  }
0x80: {  	_ =	shalt  }
0x81: {  	_ =	shalt  }
0x82: {  	_ =	shalt  }
0x83: {  	_ =	shalt  }
0x84: {  	_ =	shalt  }
0x85: {  	_ =	shalt  }
0x86: {  	_ =	shalt  }
0x87: {  	_ =	shalt  }
.Lfunc_end0:
.L_simem_size_0:
called_computation_lowered:
.L_overlay_start_0:
0x88: {  	s2 =	sld [smem:$0x3FD9]  }
0x89: {  	s3 =	sld [smem:$0x3FFE];
	_ =	sdelay $0x1  }
0x8a: {  	s1 =	srdreg.scid  }
0x8b: {  	s0 =	sand.u32 $0x1, s1  }
0x8c: {  	s17 =	sshll.u32 s0, $0xA;
	s2 =	sadd.s32 s3, s2  }
0x8d: {  	s2 =	sadd.s32 s2, s17  }
0x8e: {  	[smem:$0x3FC6] =	sst s2  }
0x8f: {  	_ = 	snop  }
0x90: {  	s2 =	sld [smem:$0x3FC9]  }
0x91: {  	s18 =	sld [smem:$0x3FD0];
	(tm) =	ssettm $0x1  }
0x92: {  	s4 =	sld [smem:$0x3FFB];
	_ =	sdelay $0x3  }
0x93: {  	_ =	strace s4  }
0x94: {  	s4 =	sld [smem:$0x3FFC];
	_ =	sdelay $0x3  }
0x95: {  	_ =	strace s4  }
0x96: {  	s4 =	sld [smem:$0x3FFD];
	_ =	sdelay $0x3  }
0x97: {  	_ =	strace s4  }
0x98: {  	_ =	strace $0x8FFFFFFF  }
0x99: {  	s19 =	sld [smem:$0x3FDB];
	_ =	sdelay $0x1  }
0x9a: {  	s5 =	simm.s32 $_scs_section_size  }
0x9b: {  	s6 =	simm.s32 $_size__tile_overlayer_lowered;
	s7 =	simm.s32 $_tile_overlayer_lowered  }
0x9c: {  	s22 =	simm.s32 $0x1BFF;
	s21 =	sshll.u32 s7, $0x1;
	s4 =	sadd.s32 s5, s19  }
0x9d: {  	s8 =	simm.s32 $0x0;
	s20 =	sshll.u32 s6, $0x1;
	s6 =	sadd.s32 s21, s4  }
0x9e: {  	[timem:s8], [sflag:s22] =	dma.local [hbm:s6], s20  }
0x9f: {  	_ =	swait.ge [sflag:s22], s20  }
0xa0: {  	s5 =	ssub.s32 $0x0, s20;
	[sflag:s22] =	ssyncset.done $0x0  }
0xa1: {  	[sflag:s22] =	ssyncadd.s32 s5;
	_ =	sdelay $0x1  }
0xa2: {  	s23 =	simm.s32 $0x1B8B  }
0xa3: {  	_ =	swait.ge [sflag:s23], $0x1  }
0xa4: {  	[sflag:s23] =	ssyncset.done $0x0  }
0xa5: {  	s25 =	simm.s32 $0x1B8E;
	s24 =	sld [smem:$0x3FFE];
	[sflag:s23] =	ssyncadd.s32 $0xFFFFFFFF  }
0xa6: {  	s26 =	simm.s32 $execute0_lowered;
	[smem:$0x3FD2] =	sst s25  }
0xa7: {  	s6 =	sshll.u32 s26, $0x1;
	_ =	strace $0x80000046;
	[dreg:$0x1] =	wrdreg $0xFFFFFFFF  }
0xa8: {  	s28 =	simm.s32 $_size_execute0_lowered;
	s4 =	sadd.s32 s4, s6;
	[dreg:$0x0] =	wrdreg $0x0  }
0xa9: {  	s6 =	sshll.u32 s28, $0x1;
	[dreg:$0x2] =	wrdreg s4  }
0xaa: {  	[dreg:$0x3] =	wrdreg s6  }
0xab: {  	[dreg:$0x4] =	wrdreg $0xC0  }
0xac: {  	_ =	task [dreg:s8], $0x5FFFF  }
0xad: {  	[dreg:$0x1] =	wrdreg $0xFFFFFFFF  }
0xae: {  	[dreg:$0x0] =	wrdreg $0x60  }
0xaf: {  	[dreg:$0x2] =	wrdreg s2  }
0xb0: {  	[dreg:$0x3] =	wrdreg s18  }
0xb1: {  	[dreg:$0x4] =	wrdreg s24  }
0xb2: {  	[dreg:$0x5] =	wrdreg $0xAB000  }
0xb3: {  	[dreg:$0x6] =	wrdreg $0x1EB000  }
0xb4: {  	[dreg:$0x7] =	wrdreg $0x9  }
0xb5: {  	_ =	task.clear_ibuf [dreg:s8], $0x8FFFF;
	_ =	strace $0x90000046  }
0xb6: {  	s29 =	simm.s32 $0x9;
	_ =	strace $0x80000048  }
0xb7: {  	_ =	swait.ge [sflag:s29], $0x1  }
0xb8: {  	[sflag:s29] =	ssyncadd.s32 $0xFFFFFFFF  }
0xb9: {  	_ =	strace $0x90000048  }
0xba: {  	_ =	sfence  }
0xbb: {  	s30 =	sld [smem:$0x0];
	_ =	sdelay $0x2  }
0xbc: {  	s31 =	sshll.u32 s1, $0xD;
	s1 =	sshrl.u32 s1, $0x2  }
0xbd: {  	s3 =	sand.u32 $0x4000, s31;
	s1 =	sadd.s32 s1, s30  }
0xbe: {  	s0 =	sor.u32 s3, s0;
	s1 =	sshll.u32 s1, $0x11  }
0xbf: {  	s0 =	sor.u32 s1, s0  }
0xc0: {  	s0 =	sadd.s32 $0x8F2B, s0  }
0xc1: {  	[sflag:s0] =	ssyncadd.remote.s32 $0x1  }
0xc2: {  	_ =	sfence.sel $0xFFFF  }
0xc3: {  	[dreg:$0x0] =	wrdreg $0xFFFFFFFF;
	(pc) =	sbr.abs _section_cstart, $3  }
0xc4: {  	[dreg:$0x1] =	wrdreg $0xFFFFFFFF  }
0xc5: {  	_ =	task.clear_ibuf [dreg:s8], $0x2FFFF;
	_ =	strace $0x9FFFFFFF  }
0xc6: {  	(tm) =	ssettm $0x7FFFFFFF  }
0xc7: {  	_ =	shalt  }
tec
execute0_lowered:
.L_overlay_start_1:
0x0: {  	(tag) =	ssettag $0x1  }
0x1: {  	s0 =	rddreg [dreg:$0x0]  }
0x2: {  	s5 =	rddreg [dreg:$0x1]  }
0x3: {  	s1 =	rddreg [dreg:$0x2];
	s20 =	stileid.u32  }
0x4: {  	s2 =	simm.s32 $0x0;
	s3 =	srdreg.scid;
	s4 =	smul.u32 $0x280, s20  }
0x5: {  	[smem:$0x7FF] =	sst s2;
	s6 =	sand.u32 $0x1, s3;
	s13 =	smul.u32 $0x14000, s20  }
0x6: {  	s7 =	sshll.u32 s20, $0x1;
	s8 =	sadd.s32 $0x2400, s1;
	s26 =	smul.u32 $0x500, s20  }
0x7: {  	s3 =	ssub.s32 $0x2, s6;
	s7 =	sor.u32 s6, s7;
	s12 =	smul.u32 $0x140000, s6  }
0x8: {  	s6 =	sshll.u32 s6, $0x7;
	s9 =	sshrl.u32 s3, $0x1;
	s7 =	smul.u32 $0x500, s7  }
0x9: {  	s11 =	sadd.s32 $0x100, s4;
	s15 =	sadd.s32 $0x180, s4;
	s16 =	sadd.s32 $0x200, s4  }
0xa: {  	s3 =	ssub.s32 s3, s9;
	s9 =	sadd.s32 $0x80, s4;
	s17 =	sshll.u32 s11, $0x7  }
0xb: {  	s18 =	sshll.u32 s15, $0x7;
	s19 =	sshll.u32 s16, $0x7;
	s25 =	sadd.s32 s13, s12  }
0xc: {  	s23 =	sshll.u32 s11, $0x1;
	s24 =	sshll.u32 s15, $0x1;
	s10 =	sshll.u32 s9, $0x7  }
0xd: {  	s5 =	sadd.s32 s5, s7;
	s14 =	sshll.u32 s9, $0x1;
	s21 =	sadd.s32 s12, s17  }
0xe: {  	[dreg:$0x6] =	wrdreg s5;
	s5 =	sshrl.u32 s25, $0x3;
	s31 =	sadd.s32 s12, s10  }
0xf: {  	s25 =	sshll.u32 s16, $0x1;
	s5 =	sadd.s32 s8, s5;
	s13 =	sshrl.u32 s31, $0x3  }
0x10: {  	s31 =	sadd.s32 $0x52400, s1;
	[dreg:$0x7] =	wrdreg s5;
	s5 =	sor.u32 s6, s26  }
0x11: {  	s7 =	sadd.s32 s8, s13;
	s13 =	sshrl.u32 s21, $0x3;
	s26 =	sor.u32 s6, s23  }
0x12: {  	[dreg:$0x8] =	wrdreg s7;
	s7 =	sor.u32 s6, s14;
	s14 =	sadd.s32 s12, s18  }
0x13: {  	s13 =	sadd.s32 s8, s13;
	s12 =	sadd.s32 s12, s19;
	s5 =	sshrl.u32 s5, $0x3  }
0x14: {  	[dreg:$0x9] =	wrdreg s13;
	s22 =	sshrl.u32 s14, $0x3;
	s5 =	sadd.s32 s31, s5  }
0x15: {  	s12 =	sshrl.u32 s12, $0x3;
	s14 =	sshrl.u32 s26, $0x3;
	[dreg:$0xc] =	wrdreg s5  }
0x16: {  	s13 =	sadd.s32 s8, s22;
	s5 =	sadd.s32 s31, s14;
	s14 =	rddreg [dreg:$0x4]  }
0x17: {  	s7 =	sshrl.u32 s7, $0x3;
	s8 =	sadd.s32 s8, s12;
	[dreg:$0xa] =	wrdreg s13  }
0x18: {  	s26 =	sadd.s32 $0x1C00, s1;
	s7 =	sadd.s32 s31, s7;
	[dreg:$0xb] =	wrdreg s8  }
0x19: {  	s22 =	smul.u32 $0x50000, s20;
	s12 =	simm.s32 $0x2A00;
	[dreg:$0xd] =	wrdreg s7  }
0x1a: {  	s13 =	sor.u32 s6, s24;
	s6 =	sor.u32 s6, s25;
	[dreg:$0xe] =	wrdreg s5  }
0x1b: {  	s25 =	sadd.s32 $0x1800, s1;
	s1 =	sadd.s32 $0x1A00, s1;
	s28 =	sadd.s32 s15, s14  }
0x1c: {  	s30 =	sadd.s32 s16, s14;
	s7 =	simm.s32 $0x2800;
	s8 =	simm.s32 $0x2900  }
0x1d: {  	s15 =	simm.s32 $0x2;
	s16 =	simm.s32 $0x2980;
	s21 =	sshrl.u32 s13, $0x3  }
0x1e: {  	s13 =	rddreg [dreg:$0x3];
	s6 =	sshrl.u32 s6, $0x3;
	s24 =	sshrl.u32 s22, $0x2  }
0x1f: {  	s5 =	sadd.s32 s31, s21;
	s23 =	sadd.s32 s31, s6;
	s20 =	sadd.s32 s24, s13  }
0x20: {  	s21 =	sadd.s32 s4, s14;
	s22 =	sadd.s32 s10, s13;
	s24 =	sadd.s32 s17, s13  }
0x21: {  	s29 =	sadd.s32 s19, s13;
	s31 =	smax.u32 s3, $0x1;
	s3 =	simm.s32 $0xAA80  }
0x22: {  	s4 =	simm.s32 $0xAA00;
	s6 =	simm.s32 $0x80;
	[dreg:$0xf] =	wrdreg s5  }
0x23: {  	s10 =	simm.s32 $0x1;
	s17 =	simm.s32 $0x0;
	[dreg:$0x10] =	wrdreg s23  }
0x24: {  	s23 =	sadd.s32 s9, s14;
	_ =	strace $0x80000047;
	[dreg:$0x11] =	wrdreg s25  }
0x25: {  	s5 =	simm.s32 $0x3;
	s9 =	simm.s32 $0x6A00;
	[dreg:$0x12] =	wrdreg s26  }
0x26: {  	[dreg:$0x13] =	wrdreg s1;
	s25 =	sadd.s32 s11, s14;
	s26 =	sadd.s32 s18, s13  }
0x27: {  	[dreg:$0x14] =	wrdreg s31;
	s1 =	simm.s32 $0x4;
	s11 =	simm.s32 $0x2880  }
.LBB2_1:
0x28: {  	s18 =	rddreg [dreg:$0x12]  }
0x29: {  	[tilespmem:s12], [sflag:$0x4] =	stream.linear.gather [hbm4b:s18+s2], $0x4000, $0x38;
	[tilespmem:$0x1ED80] =	vst v63  }
0x2a: {  	_ =	swait.ge [sflag:s1], $0x4000  }
0x2b: {  	[sflag:s1] =	ssyncset.done $0x0  }
0x2c: {  	s19 =	rddreg [dreg:$0x13];
	[sflag:s1] =	ssyncadd.s32 $0xFFFFC000  }
0x2d: {  	[tilespmem:s3], [sflag:$0x4] =	stream.linear.gather [hbm4b:s19+s2], $0x80, $0x38;
	[tilespmem:$0x1ED80] =	vst v63  }
0x2e: {  	_ =	swait.ge [sflag:s1], $0x80  }
0x2f: {  	[sflag:s1] =	ssyncset.done $0x0  }
0x30: {  	[sflag:s1] =	ssyncadd.s32 $0xFFFFFF80  }
0x31: {  	[spmem:s20] =	stream.linear.scatter [tilespmem:s12], [sflag:$0x3], $0x4000, $0x38;
	[tilespmem:$0x1ED80] =	vst v63  }
0x32: {  	_ = 	snop  }
0x33: {  	[spmem:s21] =	stream.linear.scatter [tilespmem:s3], [sflag:$0x3], $0x80, $0x38;
	[tilespmem:$0x1ED80] =	vst v63  }
0x34: {  	_ = 	snop  }
0x35: {  	[spmem:s22] =	stream.linear.scatter [tilespmem:s12], [sflag:$0x3], $0x4000, $0x38;
	[tilespmem:$0x1ED80] =	vst v63  }
0x36: {  	_ = 	snop  }
0x37: {  	[spmem:s23] =	stream.linear.scatter [tilespmem:s3], [sflag:$0x3], $0x80, $0x38;
	[tilespmem:$0x1ED80] =	vst v63  }
0x38: {  	_ = 	snop  }
0x39: {  	[spmem:s24] =	stream.linear.scatter [tilespmem:s12], [sflag:$0x3], $0x4000, $0x38;
	[tilespmem:$0x1ED80] =	vst v63  }
0x3a: {  	_ = 	snop  }
0x3b: {  	[spmem:s25] =	stream.linear.scatter [tilespmem:s3], [sflag:$0x3], $0x80, $0x38;
	[tilespmem:$0x1ED80] =	vst v63  }
0x3c: {  	_ = 	snop  }
0x3d: {  	[spmem:s26] =	stream.linear.scatter [tilespmem:s12], [sflag:$0x3], $0x4000, $0x38;
	[tilespmem:$0x1ED80] =	vst v63  }
0x3e: {  	_ = 	snop  }
0x3f: {  	[spmem:s28] =	stream.linear.scatter [tilespmem:s3], [sflag:$0x3], $0x80, $0x38;
	[tilespmem:$0x1ED80] =	vst v63  }
0x40: {  	_ = 	snop  }
0x41: {  	[spmem:s29] =	stream.linear.scatter [tilespmem:s12], [sflag:$0x3], $0x4000, $0x38;
	[tilespmem:$0x1ED80] =	vst v63  }
0x42: {  	_ = 	snop  }
0x43: {  	[spmem:s30] =	stream.linear.scatter [tilespmem:s3], [sflag:$0x3], $0x80, $0x38;
	[tilespmem:$0x1ED80] =	vst v63  }
0x44: {  	s31 =	rddreg [dreg:$0x6]  }
0x45: {  	[tilespmem:s2], [sflag:$0x4] =	stream.linear.gather [hbm4b:s31+s2], $0x2800, $0x38;
	[tilespmem:$0x1ED80] =	vst v63  }
0x46: {  	_ =	swait.ge [sflag:s1], $0x2800  }
0x47: {  	[sflag:s1] =	ssyncset.done $0x0  }
0x48: {  	s19 =	rddreg [dreg:$0x11];
	[sflag:s1] =	ssyncadd.s32 $0xFFFFD800  }
0x49: {  	[tilespmem:s4], [sflag:$0x4] =	stream.linear.gather [hbm4b:s19+s2], $0x80, $0x38;
	[tilespmem:$0x1ED80] =	vst v63  }
0x4a: {  	_ =	swait.ge [sflag:s1], $0x80  }
0x4b: {  	[sflag:s1] =	ssyncset.done $0x0  }
0x4c: {  	[sflag:s1] =	ssyncadd.s32 $0xFFFFFF80  }
0x4d: {  	_ =	swait.ge [sflag:s5], $0x4000  }
0x4e: {  	[sflag:s5] =	ssyncset.done $0x0  }
0x4f: {  	[sflag:s5] =	ssyncadd.s32 $0xFFFFC000  }
0x50: {  	_ =	swait.ge [sflag:s5], $0x80  }
0x51: {  	[sflag:s5] =	ssyncset.done $0x0  }
0x52: {  	[sflag:s5] =	ssyncadd.s32 $0xFFFFFF80  }
0x53: {  	_ =	swait.ge [sflag:s5], $0x4000  }
0x54: {  	[sflag:s5] =	ssyncset.done $0x0  }
0x55: {  	[sflag:s5] =	ssyncadd.s32 $0xFFFFC000  }
0x56: {  	_ =	swait.ge [sflag:s5], $0x80  }
0x57: {  	[sflag:s5] =	ssyncset.done $0x0  }
0x58: {  	[sflag:s5] =	ssyncadd.s32 $0xFFFFFF80  }
0x59: {  	_ =	swait.ge [sflag:s5], $0x4000  }
0x5a: {  	[sflag:s5] =	ssyncset.done $0x0  }
0x5b: {  	[sflag:s5] =	ssyncadd.s32 $0xFFFFC000  }
0x5c: {  	_ =	swait.ge [sflag:s5], $0x80  }
0x5d: {  	[sflag:s5] =	ssyncset.done $0x0  }
0x5e: {  	[sflag:s5] =	ssyncadd.s32 $0xFFFFFF80  }
0x5f: {  	_ =	swait.ge [sflag:s5], $0x4000  }
0x60: {  	[sflag:s5] =	ssyncset.done $0x0  }
0x61: {  	[sflag:s5] =	ssyncadd.s32 $0xFFFFC000  }
0x62: {  	_ =	swait.ge [sflag:s5], $0x80  }
0x63: {  	[sflag:s5] =	ssyncset.done $0x0  }
0x64: {  	[sflag:s5] =	ssyncadd.s32 $0xFFFFFF80  }
0x65: {  	_ =	swait.ge [sflag:s5], $0x4000  }
0x66: {  	[sflag:s5] =	ssyncset.done $0x0  }
0x67: {  	[sflag:s5] =	ssyncadd.s32 $0xFFFFC000  }
0x68: {  	_ =	swait.ge [sflag:s5], $0x80  }
0x69: {  	[sflag:s5] =	ssyncset.done $0x0  }
0x6a: {  	[sflag:s5] =	ssyncadd.s32 $0xFFFFFF80  }
0x6b: {  	[bflag:$0x0] =	sbarrier.arrive $0xFFFF  }
0x6c: {  	v0 =	vld [tilespmem:$0x0];
	_ =	sdelay $0x1  }
0x6d: {  	v1 =	vld [tilespmem:$0x10];
	_ =	sdelay $0x1  }
0x6e: {  	v2 =	vld [tilespmem:$0x20]  }
0x6f: {  	v3 =	vand.u32 $0x3FFF, v0  }
0x70: {  	v0 =	vshra.s32 v0, $0xE;
	[tilespmem:$0x2800] =	vst v3;
	v3 =	vld [tilespmem:$0x30]  }
0x71: {  	[tilespmem:$0x2880] =	vst v0;
	v0 =	vand.u32 $0x3FFF, v1  }
0x72: {  	[tilespmem:$0x2810] =	vst v0;
	v0 =	vshra.s32 v1, $0xE;
	v1 =	vld [tilespmem:$0x40]  }
0x73: {  	[tilespmem:$0x2890] =	vst v0;
	v0 =	vand.u32 $0x3FFF, v2  }
0x74: {  	[tilespmem:$0x2820] =	vst v0;
	v0 =	vshra.s32 v2, $0xE;
	v2 =	vld [tilespmem:$0x50]  }
0x75: {  	[tilespmem:$0x28A0] =	vst v0;
	v0 =	vand.u32 $0x3FFF, v3  }
0x76: {  	[tilespmem:$0x2830] =	vst v0;
	v0 =	vshra.s32 v3, $0xE;
	v3 =	vld [tilespmem:$0x60]  }
0x77: {  	[tilespmem:$0x28B0] =	vst v0;
	v0 =	vand.u32 $0x3FFF, v1  }
0x78: {  	[tilespmem:$0x2840] =	vst v0;
	v0 =	vshra.s32 v1, $0xE;
	v1 =	vld [tilespmem:$0x70]  }
0x79: {  	[tilespmem:$0x28C0] =	vst v0;
	v0 =	vand.u32 $0x3FFF, v2  }
0x7a: {  	[tilespmem:$0x2850] =	vst v0;
	v0 =	vshra.s32 v2, $0xE  }
0x7b: {  	[tilespmem:$0x28D0] =	vst v0;
	v0 =	vand.u32 $0x3FFF, v3  }
0x7c: {  	[tilespmem:$0x2860] =	vst v0;
	v0 =	vshra.s32 v3, $0xE  }
0x7d: {  	[tilespmem:$0x28E0] =	vst v0;
	v0 =	vand.u32 $0x3FFF, v1  }
0x7e: {  	[tilespmem:$0x2870] =	vst v0;
	v0 =	vshra.s32 v1, $0xE  }
0x7f: {  	s31 =	simm.s32 $0x0;
	[tilespmem:$0x28F0] =	vst v0  }
0x80: {  	[tilespmem:s12], [sflag:$0x1] =	stream.indirect.gather [hbm4b:s0+s6], $0x80, s7, s6, $0xb8;
	[tilespmem:$0x1ED80] =	vst v63  }
0x81: {  	v0 =	vld [tilespmem:s31+$0x80];
	_ =	sdelay $0x4  }
0x82: {  	v1 =	vand.u32 $0x3FFF, v0  }
0x83: {  	v0 =	vshra.s32 v0, $0xE;
	[tilespmem:$0x2900] =	vst v1  }
0x84: {  	[tilespmem:$0x2980] =	vst v0  }
0x85: {  	v0 =	vld [tilespmem:s31+$0x90];
	_ =	sdelay $0x4  }
0x86: {  	v1 =	vand.u32 $0x3FFF, v0  }
0x87: {  	v0 =	vshra.s32 v0, $0xE;
	[tilespmem:$0x2910] =	vst v1  }
0x88: {  	[tilespmem:$0x2990] =	vst v0  }
0x89: {  	v0 =	vld [tilespmem:s31+$0xA0];
	_ =	sdelay $0x4  }
0x8a: {  	v1 =	vand.u32 $0x3FFF, v0  }
0x8b: {  	v0 =	vshra.s32 v0, $0xE;
	[tilespmem:$0x2920] =	vst v1  }
0x8c: {  	[tilespmem:$0x29A0] =	vst v0  }
0x8d: {  	v0 =	vld [tilespmem:s31+$0xB0];
	_ =	sdelay $0x4  }
0x8e: {  	v1 =	vand.u32 $0x3FFF, v0  }
0x8f: {  	v0 =	vshra.s32 v0, $0xE;
	[tilespmem:$0x2930] =	vst v1  }
0x90: {  	[tilespmem:$0x29B0] =	vst v0  }
0x91: {  	v0 =	vld [tilespmem:s31+$0xC0];
	_ =	sdelay $0x4  }
0x92: {  	v1 =	vand.u32 $0x3FFF, v0  }
0x93: {  	v0 =	vshra.s32 v0, $0xE;
	[tilespmem:$0x2940] =	vst v1  }
0x94: {  	[tilespmem:$0x29C0] =	vst v0  }
0x95: {  	v0 =	vld [tilespmem:s31+$0xD0];
	_ =	sdelay $0x4  }
0x96: {  	v1 =	vand.u32 $0x3FFF, v0  }
0x97: {  	v0 =	vshra.s32 v0, $0xE;
	[tilespmem:$0x2950] =	vst v1  }
0x98: {  	[tilespmem:$0x29D0] =	vst v0  }
0x99: {  	v0 =	vld [tilespmem:s31+$0xE0];
	_ =	sdelay $0x4  }
0x9a: {  	v1 =	vand.u32 $0x3FFF, v0  }
0x9b: {  	v0 =	vshra.s32 v0, $0xE;
	[tilespmem:$0x2960] =	vst v1  }
0x9c: {  	[tilespmem:$0x29E0] =	vst v0  }
0x9d: {  	v0 =	vld [tilespmem:s31+$0xF0];
	_ =	sdelay $0x4  }
0x9e: {  	v1 =	vand.u32 $0x3FFF, v0  }
0x9f: {  	v0 =	vshra.s32 v0, $0xE;
	[tilespmem:$0x2970] =	vst v1  }
0xa0: {  	[tilespmem:$0x29F0] =	vst v0  }
0xa1: {  	[tilespmem:s9], [sflag:$0x2] =	stream.indirect.gather [hbm4b:s0+s6], $0x80, s8, s6, $0xb8;
	[tilespmem:$0x1ED80] =	vst v63  }
0xa2: {  	_ =	swait.ge [sflag:s10], $0x4000  }
0xa3: {  	[sflag:s10] =	ssyncset.done $0x0  }
0xa4: {  	[sflag:s10] =	ssyncadd.s32 $0xFFFFC000  }
0xa5: {  	[spmem:s13] =	stream.indirect.scatter.add.f32 [tilespmem:s12], [sflag:$0x4], $0x80, s11, s6, $0xb8;
	[tilespmem:$0x1ED80] =	vst v63  }
0xa6: {  	_ =	swait.ge [sflag:s1], $0x4000  }
0xa7: {  	[sflag:s1] =	ssyncset.done $0x0  }
0xa8: {  	[sflag:s1] =	ssyncadd.s32 $0xFFFFC000  }
0xa9: {  	[spmem:s14] =	stream.indirect.scatter.add.f32 [tilespmem:s4], [sflag:$0x4], $0x1, s11, s6, $0xb8;
	[tilespmem:$0x1ED80] =	vst v63  }
0xaa: {  	_ =	swait.ge [sflag:s1], $0x80  }
0xab: {  	[sflag:s1] =	ssyncset.done $0x0  }
0xac: {  	[sflag:s1] =	ssyncadd.s32 $0xFFFFFF80  }
0xad: {  	v0 =	vld [tilespmem:s31+$0x100];
	_ =	sdelay $0x4  }
0xae: {  	v1 =	vand.u32 $0x3FFF, v0  }
0xaf: {  	v0 =	vshra.s32 v0, $0xE;
	[tilespmem:$0x2800] =	vst v1  }
0xb0: {  	[tilespmem:$0x2880] =	vst v0  }
0xb1: {  	v0 =	vld [tilespmem:s31+$0x110];
	_ =	sdelay $0x4  }
0xb2: {  	v1 =	vand.u32 $0x3FFF, v0  }
0xb3: {  	v0 =	vshra.s32 v0, $0xE;
	[tilespmem:$0x2810] =	vst v1  }
0xb4: {  	[tilespmem:$0x2890] =	vst v0  }
0xb5: {  	v0 =	vld [tilespmem:s31+$0x120];
	_ =	sdelay $0x4  }
0xb6: {  	v1 =	vand.u32 $0x3FFF, v0  }
0xb7: {  	v0 =	vshra.s32 v0, $0xE;
	[tilespmem:$0x2820] =	vst v1  }
0xb8: {  	[tilespmem:$0x28A0] =	vst v0  }
0xb9: {  	v0 =	vld [tilespmem:s31+$0x130];
	_ =	sdelay $0x4  }
0xba: {  	v1 =	vand.u32 $0x3FFF, v0  }
0xbb: {  	v0 =	vshra.s32 v0, $0xE;
	[tilespmem:$0x2830] =	vst v1  }
0xbc: {  	[tilespmem:$0x28B0] =	vst v0  }
0xbd: {  	v0 =	vld [tilespmem:s31+$0x140];
	_ =	sdelay $0x4  }
0xbe: {  	v1 =	vand.u32 $0x3FFF, v0  }
0xbf: {  	v0 =	vshra.s32 v0, $0xE;
	[tilespmem:$0x2840] =	vst v1  }
0xc0: {  	[tilespmem:$0x28C0] =	vst v0  }
0xc1: {  	v0 =	vld [tilespmem:s31+$0x150];
	_ =	sdelay $0x4  }
0xc2: {  	v1 =	vand.u32 $0x3FFF, v0  }
0xc3: {  	v0 =	vshra.s32 v0, $0xE;
	[tilespmem:$0x2850] =	vst v1  }
0xc4: {  	[tilespmem:$0x28D0] =	vst v0  }
0xc5: {  	v0 =	vld [tilespmem:s31+$0x160];
	_ =	sdelay $0x4  }
0xc6: {  	v1 =	vand.u32 $0x3FFF, v0  }
0xc7: {  	v0 =	vshra.s32 v0, $0xE;
	[tilespmem:$0x2860] =	vst v1  }
0xc8: {  	[tilespmem:$0x28E0] =	vst v0  }
0xc9: {  	s18 =	simm.s32 $0x400;
	v0 =	vld [tilespmem:s31+$0x170]  }
.LBB2_2:
0xca: {  	_ =	sdelay $0x1  }
0xcb: {  	p0 =	sne.s32 s18, $0x9800;
	s19 =	smov.u32 s18;
	s18 =	sadd.s32 $0x400, s18  }
0xcc: {  	_ = 	snop  }
0xcd: {  	v1 =	vand.u32 $0x3FFF, v0;
	v0 =	vshra.s32 v0, $0xE  }
0xce: {  	[tilespmem:$0x2870] =	vst v1  }
0xcf: {  	[tilespmem:$0x28F0] =	vst v0  }
0xd0: {  	[tilespmem:s12], [sflag:$0x1] =	stream.indirect.gather [hbm4b:s0+s6], $0x80, s7, s6, $0xb8;
	[tilespmem:$0x1ED80] =	vst v63  }
0xd1: {  	_ =	swait.ge [sflag:s15], $0x4000  }
0xd2: {  	[sflag:s15] =	ssyncset.done $0x0  }
0xd3: {  	[sflag:s15] =	ssyncadd.s32 $0xFFFFC000  }
0xd4: {  	[spmem:s13] =	stream.indirect.scatter.add.f32 [tilespmem:s9], [sflag:$0x4], $0x80, s16, s6, $0xb8;
	[tilespmem:$0x1ED80] =	vst v63  }
0xd5: {  	_ =	swait.ge [sflag:s1], $0x4000  }
0xd6: {  	[sflag:s1] =	ssyncset.done $0x0  }
0xd7: {  	[sflag:s1] =	ssyncadd.s32 $0xFFFFC000  }
0xd8: {  	[spmem:s14] =	stream.indirect.scatter.add.f32 [tilespmem:s4], [sflag:$0x4], $0x1, s16, s6, $0xb8;
	[tilespmem:$0x1ED80] =	vst v63  }
0xd9: {  	_ =	swait.ge [sflag:s1], $0x80  }
0xda: {  	[sflag:s1] =	ssyncset.done $0x0  }
0xdb: {  	s19 =	sshra.s32 s19, $0x2;
	[sflag:s1] =	ssyncadd.s32 $0xFFFFFF80  }
0xdc: {  	v0 =	vld [tilespmem:s19+$0x80];
	_ =	sdelay $0x4  }
0xdd: {  	v1 =	vand.u32 $0x3FFF, v0;
	v0 =	vshra.s32 v0, $0xE  }
0xde: {  	[tilespmem:$0x2900] =	vst v1  }
0xdf: {  	[tilespmem:$0x2980] =	vst v0  }
0xe0: {  	v0 =	vld [tilespmem:s19+$0x90];
	_ =	sdelay $0x4  }
0xe1: {  	v1 =	vand.u32 $0x3FFF, v0;
	v0 =	vshra.s32 v0, $0xE  }
0xe2: {  	[tilespmem:$0x2910] =	vst v1  }
0xe3: {  	[tilespmem:$0x2990] =	vst v0  }
0xe4: {  	v0 =	vld [tilespmem:s19+$0xA0];
	_ =	sdelay $0x4  }
0xe5: {  	v1 =	vand.u32 $0x3FFF, v0;
	v0 =	vshra.s32 v0, $0xE  }
0xe6: {  	[tilespmem:$0x2920] =	vst v1  }
0xe7: {  	[tilespmem:$0x29A0] =	vst v0  }
0xe8: {  	v0 =	vld [tilespmem:s19+$0xB0];
	_ =	sdelay $0x4  }
0xe9: {  	v1 =	vand.u32 $0x3FFF, v0;
	v0 =	vshra.s32 v0, $0xE  }
0xea: {  	[tilespmem:$0x2930] =	vst v1  }
0xeb: {  	[tilespmem:$0x29B0] =	vst v0  }
0xec: {  	v0 =	vld [tilespmem:s19+$0xC0];
	_ =	sdelay $0x4  }
0xed: {  	v1 =	vand.u32 $0x3FFF, v0;
	v0 =	vshra.s32 v0, $0xE  }
0xee: {  	[tilespmem:$0x2940] =	vst v1  }
0xef: {  	[tilespmem:$0x29C0] =	vst v0  }
0xf0: {  	v0 =	vld [tilespmem:s19+$0xD0];
	_ =	sdelay $0x4  }
0xf1: {  	v1 =	vand.u32 $0x3FFF, v0;
	v0 =	vshra.s32 v0, $0xE  }
0xf2: {  	[tilespmem:$0x2950] =	vst v1  }
0xf3: {  	[tilespmem:$0x29D0] =	vst v0  }
0xf4: {  	v0 =	vld [tilespmem:s19+$0xE0];
	_ =	sdelay $0x4  }
0xf5: {  	v1 =	vand.u32 $0x3FFF, v0;
	v0 =	vshra.s32 v0, $0xE  }
0xf6: {  	[tilespmem:$0x2960] =	vst v1  }
0xf7: {  	[tilespmem:$0x29E0] =	vst v0  }
0xf8: {  	v0 =	vld [tilespmem:s19+$0xF0];
	_ =	sdelay $0x4  }
0xf9: {  	v1 =	vand.u32 $0x3FFF, v0;
	v0 =	vshra.s32 v0, $0xE  }
0xfa: {  	[tilespmem:$0x2970] =	vst v1  }
0xfb: {  	[tilespmem:$0x29F0] =	vst v0  }
0xfc: {  	[tilespmem:s9], [sflag:$0x2] =	stream.indirect.gather [hbm4b:s0+s6], $0x80, s8, s6, $0xb8;
	[tilespmem:$0x1ED80] =	vst v63  }
0xfd: {  	_ =	swait.ge [sflag:s10], $0x4000  }
0xfe: {  	[sflag:s10] =	ssyncset.done $0x0  }
0xff: {  	[sflag:s10] =	ssyncadd.s32 $0xFFFFC000  }
0x100: {  	[spmem:s13] =	stream.indirect.scatter.add.f32 [tilespmem:s12], [sflag:$0x4], $0x80, s11, s6, $0xb8;
	[tilespmem:$0x1ED80] =	vst v63  }
0x101: {  	_ =	swait.ge [sflag:s1], $0x4000  }
0x102: {  	[sflag:s1] =	ssyncset.done $0x0  }
0x103: {  	[sflag:s1] =	ssyncadd.s32 $0xFFFFC000  }
0x104: {  	[spmem:s14] =	stream.indirect.scatter.add.f32 [tilespmem:s4], [sflag:$0x4], $0x1, s11, s6, $0xb8;
	[tilespmem:$0x1ED80] =	vst v63  }
0x105: {  	_ =	swait.ge [sflag:s1], $0x80  }
0x106: {  	[sflag:s1] =	ssyncset.done $0x0  }
0x107: {  	[sflag:s1] =	ssyncadd.s32 $0xFFFFFF80  }
0x108: {  	v0 =	vld [tilespmem:s19+$0x100];
	_ =	sdelay $0x4  }
0x109: {  	v1 =	vand.u32 $0x3FFF, v0;
	v0 =	vshra.s32 v0, $0xE  }
0x10a: {  	[tilespmem:$0x2800] =	vst v1  }
0x10b: {  	[tilespmem:$0x2880] =	vst v0  }
0x10c: {  	v0 =	vld [tilespmem:s19+$0x110];
	_ =	sdelay $0x4  }
0x10d: {  	v1 =	vand.u32 $0x3FFF, v0;
	v0 =	vshra.s32 v0, $0xE  }
0x10e: {  	[tilespmem:$0x2810] =	vst v1  }
0x10f: {  	[tilespmem:$0x2890] =	vst v0  }
0x110: {  	v0 =	vld [tilespmem:s19+$0x120];
	_ =	sdelay $0x4  }
0x111: {  	v1 =	vand.u32 $0x3FFF, v0;
	v0 =	vshra.s32 v0, $0xE  }
0x112: {  	[tilespmem:$0x2820] =	vst v1  }
0x113: {  	[tilespmem:$0x28A0] =	vst v0  }
0x114: {  	v0 =	vld [tilespmem:s19+$0x130];
	_ =	sdelay $0x4  }
0x115: {  	v1 =	vand.u32 $0x3FFF, v0;
	v0 =	vshra.s32 v0, $0xE  }
0x116: {  	[tilespmem:$0x2830] =	vst v1  }
0x117: {  	[tilespmem:$0x28B0] =	vst v0  }
0x118: {  	v0 =	vld [tilespmem:s19+$0x140];
	_ =	sdelay $0x4  }
0x119: {  	v1 =	vand.u32 $0x3FFF, v0;
	v0 =	vshra.s32 v0, $0xE  }
0x11a: {  	[tilespmem:$0x2840] =	vst v1  }
0x11b: {  	[tilespmem:$0x28C0] =	vst v0  }
0x11c: {  	v0 =	vld [tilespmem:s19+$0x150];
	_ =	sdelay $0x4  }
0x11d: {  	v1 =	vand.u32 $0x3FFF, v0;
	v0 =	vshra.s32 v0, $0xE  }
0x11e: {  	[tilespmem:$0x2850] =	vst v1  }
0x11f: {  	[tilespmem:$0x28D0] =	vst v0  }
0x120: {  	v0 =	vld [tilespmem:s19+$0x160];
	_ =	sdelay $0x3  }
.Ltmp0:
0x121: {  	(pc) =	sbr.rel @p0 .LBB2_2-.Ltmp0, $4  }
0x122: {  	v1 =	vand.u32 $0x3FFF, v0;
	v0 =	vshra.s32 v0, $0xE  }
0x123: {  	[tilespmem:$0x2860] =	vst v1  }
0x124: {  	[tilespmem:$0x28E0] =	vst v0  }
0x125: {  	v0 =	vld [tilespmem:s19+$0x170]  }
0x126: {  	_ =	sdelay $0x3  }
0x127: {  	v1 =	vand.u32 $0x3FFF, v0  }
0x128: {  	v42 =	vshra.s32 v0, $0xE;
	[tilespmem:$0x2870] =	vst v1  }
0x129: {  	[tilespmem:$0x28F0] =	vst v42  }
0x12a: {  	[tilespmem:s12], [sflag:$0x1] =	stream.indirect.gather [hbm4b:s0+s6], $0x80, s7, s6, $0xb8;
	[tilespmem:$0x1ED80] =	vst v63  }
0x12b: {  	_ =	swait.ge [sflag:s15], $0x4000  }
0x12c: {  	[sflag:s15] =	ssyncset.done $0x0  }
0x12d: {  	[sflag:s15] =	ssyncadd.s32 $0xFFFFC000  }
0x12e: {  	[spmem:s13] =	stream.indirect.scatter.add.f32 [tilespmem:s9], [sflag:$0x4], $0x80, s16, s6, $0xb8;
	[tilespmem:$0x1ED80] =	vst v63  }
0x12f: {  	_ =	swait.ge [sflag:s1], $0x4000  }
0x130: {  	[sflag:s1] =	ssyncset.done $0x0  }
0x131: {  	[sflag:s1] =	ssyncadd.s32 $0xFFFFC000  }
0x132: {  	[spmem:s14] =	stream.indirect.scatter.add.f32 [tilespmem:s4], [sflag:$0x4], $0x1, s16, s6, $0xb8;
	[tilespmem:$0x1ED80] =	vst v63  }
0x133: {  	_ =	swait.ge [sflag:s1], $0x80  }
0x134: {  	[sflag:s1] =	ssyncset.done $0x0  }
0x135: {  	[sflag:s1] =	ssyncadd.s32 $0xFFFFFF80  }
0x136: {  	v43 =	vld [tilespmem:$0x2780];
	_ =	sdelay $0x1  }
0x137: {  	v44 =	vld [tilespmem:$0x2790];
	_ =	sdelay $0x1  }
0x138: {  	v2 =	vld [tilespmem:$0x27A0]  }
0x139: {  	v3 =	vand.u32 $0x3FFF, v43  }
0x13a: {  	v45 =	vld [tilespmem:$0x27B0];
	v0 =	vshra.s32 v43, $0xE;
	[tilespmem:$0x2900] =	vst v3  }
0x13b: {  	v46 =	vand.u32 $0x3FFF, v44;
	[tilespmem:$0x2980] =	vst v0  }
0x13c: {  	v48 =	vld [tilespmem:$0x27C0];
	v47 =	vshra.s32 v44, $0xE;
	[tilespmem:$0x2910] =	vst v46  }
0x13d: {  	v49 =	vand.u32 $0x3FFF, v2;
	[tilespmem:$0x2990] =	vst v47  }
0x13e: {  	v51 =	vld [tilespmem:$0x27D0];
	v50 =	vshra.s32 v2, $0xE;
	[tilespmem:$0x2920] =	vst v49  }
0x13f: {  	v52 =	vand.u32 $0x3FFF, v45;
	[tilespmem:$0x29A0] =	vst v50  }
0x140: {  	v54 =	vld [tilespmem:$0x27E0];
	v53 =	vshra.s32 v45, $0xE;
	[tilespmem:$0x2930] =	vst v52  }
0x141: {  	v55 =	vand.u32 $0x3FFF, v48;
	[tilespmem:$0x29B0] =	vst v53  }
0x142: {  	v57 =	vld [tilespmem:$0x27F0];
	v56 =	vshra.s32 v48, $0xE;
	[tilespmem:$0x2940] =	vst v55  }
0x143: {  	v58 =	vand.u32 $0x3FFF, v51;
	[tilespmem:$0x29C0] =	vst v56  }
0x144: {  	v59 =	vshra.s32 v51, $0xE;
	[tilespmem:$0x2950] =	vst v58  }
0x145: {  	v60 =	vand.u32 $0x3FFF, v54;
	[tilespmem:$0x29D0] =	vst v59  }
0x146: {  	v61 =	vshra.s32 v54, $0xE;
	[tilespmem:$0x2960] =	vst v60  }
0x147: {  	v62 =	vand.u32 $0x3FFF, v57;
	[tilespmem:$0x29E0] =	vst v61  }
0x148: {  	v63 =	vshra.s32 v57, $0xE;
	[tilespmem:$0x2970] =	vst v62  }
0x149: {  	[tilespmem:$0x29F0] =	vst v63  }
0x14a: {  	[tilespmem:s9], [sflag:$0x2] =	stream.indirect.gather [hbm4b:s0+s6], $0x80, s8, s6, $0xb8;
	[tilespmem:$0x1ED80] =	vst v63  }
0x14b: {  	_ =	swait.ge [sflag:s10], $0x4000  }
0x14c: {  	[sflag:s10] =	ssyncset.done $0x0  }
0x14d: {  	[sflag:s10] =	ssyncadd.s32 $0xFFFFC000  }
0x14e: {  	[spmem:s13] =	stream.indirect.scatter.add.f32 [tilespmem:s12], [sflag:$0x4], $0x80, s11, s6, $0xb8;
	[tilespmem:$0x1ED80] =	vst v63  }
0x14f: {  	_ =	swait.ge [sflag:s1], $0x4000  }
0x150: {  	[sflag:s1] =	ssyncset.done $0x0  }
0x151: {  	[sflag:s1] =	ssyncadd.s32 $0xFFFFC000  }
0x152: {  	[spmem:s14] =	stream.indirect.scatter.add.f32 [tilespmem:s4], [sflag:$0x4], $0x1, s11, s6, $0xb8;
	[tilespmem:$0x1ED80] =	vst v63  }
0x153: {  	_ =	swait.ge [sflag:s1], $0x80  }
0x154: {  	[sflag:s1] =	ssyncset.done $0x0  }
0x155: {  	[sflag:s1] =	ssyncadd.s32 $0xFFFFFF80  }
0x156: {  	_ =	swait.ge [sflag:s15], $0x4000  }
0x157: {  	[sflag:s15] =	ssyncset.done $0x0  }
0x158: {  	[sflag:s15] =	ssyncadd.s32 $0xFFFFC000  }
0x159: {  	[spmem:s13] =	stream.indirect.scatter.add.f32 [tilespmem:s9], [sflag:$0x4], $0x80, s16, s6, $0xb8;
	[tilespmem:$0x1ED80] =	vst v63  }
0x15a: {  	_ =	swait.ge [sflag:s1], $0x4000  }
0x15b: {  	[sflag:s1] =	ssyncset.done $0x0  }
0x15c: {  	[sflag:s1] =	ssyncadd.s32 $0xFFFFC000  }
0x15d: {  	[spmem:s14] =	stream.indirect.scatter.add.f32 [tilespmem:s4], [sflag:$0x4], $0x1, s16, s6, $0xb8;
	[tilespmem:$0x1ED80] =	vst v63  }
0x15e: {  	_ =	swait.ge [sflag:s1], $0x80  }
0x15f: {  	[sflag:s1] =	ssyncset.done $0x0  }
0x160: {  	s18 =	stileid.u32;
	[sflag:s1] =	ssyncadd.s32 $0xFFFFFF80  }
0x161: {  	s18 =	sshll.u32 s18, $0x6;
	[bflag:$0x0] =	sbarrier.arrive $0xFFFF  }
0x162: {  	s19 =	sshrl.u32 s20, $0x3;
	s18 =	sor.u32 $0x1C03, s18;
	s31 =	rddreg [dreg:$0x7]  }
0x163: {  	[hbm:s31], [sflag:s18] =	dma.local [spmem:s19], $0x800  }
0x164: {  	s19 =	sshrl.u32 s21, $0x3;
	s31 =	rddreg [dreg:$0xc]  }
0x165: {  	[hbm:s31], [sflag:s18] =	dma.local [spmem:s19], $0x10  }
0x166: {  	s19 =	sshrl.u32 s22, $0x3;
	s31 =	rddreg [dreg:$0x8]  }
0x167: {  	[hbm:s31], [sflag:s18] =	dma.local [spmem:s19], $0x800  }
0x168: {  	s19 =	sshrl.u32 s23, $0x3;
	s31 =	rddreg [dreg:$0xd]  }
0x169: {  	[hbm:s31], [sflag:s18] =	dma.local [spmem:s19], $0x10  }
0x16a: {  	s19 =	sshrl.u32 s24, $0x3;
	s31 =	rddreg [dreg:$0x9]  }
0x16b: {  	[hbm:s31], [sflag:s18] =	dma.local [spmem:s19], $0x800  }
0x16c: {  	s19 =	sshrl.u32 s25, $0x3;
	s31 =	rddreg [dreg:$0xe]  }
0x16d: {  	[hbm:s31], [sflag:s18] =	dma.local [spmem:s19], $0x10  }
0x16e: {  	s19 =	sshrl.u32 s26, $0x3;
	s31 =	rddreg [dreg:$0xa]  }
0x16f: {  	[hbm:s31], [sflag:s18] =	dma.local [spmem:s19], $0x800  }
0x170: {  	s19 =	sshrl.u32 s28, $0x3;
	s31 =	rddreg [dreg:$0xf]  }
0x171: {  	[hbm:s31], [sflag:s18] =	dma.local [spmem:s19], $0x10  }
0x172: {  	s19 =	sshrl.u32 s29, $0x3;
	s31 =	rddreg [dreg:$0xb]  }
0x173: {  	[hbm:s31], [sflag:s18] =	dma.local [spmem:s19], $0x800  }
0x174: {  	s19 =	sshrl.u32 s30, $0x3;
	s31 =	rddreg [dreg:$0x10]  }
0x175: {  	[hbm:s31], [sflag:s18] =	dma.local [spmem:s19], $0x10  }
0x176: {  	_ =	swait.ge [sflag:s5], $0x800  }
0x177: {  	[sflag:s5] =	ssyncset.done $0x0  }
0x178: {  	[sflag:s5] =	ssyncadd.s32 $0xFFFFF800  }
0x179: {  	_ =	swait.ge [sflag:s5], $0x10  }
0x17a: {  	[sflag:s5] =	ssyncset.done $0x0  }
0x17b: {  	[sflag:s5] =	ssyncadd.s32 $0xFFFFFFF0  }
0x17c: {  	_ =	swait.ge [sflag:s5], $0x800  }
0x17d: {  	[sflag:s5] =	ssyncset.done $0x0  }
0x17e: {  	[sflag:s5] =	ssyncadd.s32 $0xFFFFF800  }
0x17f: {  	_ =	swait.ge [sflag:s5], $0x10  }
0x180: {  	[sflag:s5] =	ssyncset.done $0x0  }
0x181: {  	[sflag:s5] =	ssyncadd.s32 $0xFFFFFFF0  }
0x182: {  	_ =	swait.ge [sflag:s5], $0x800  }
0x183: {  	[sflag:s5] =	ssyncset.done $0x0  }
0x184: {  	[sflag:s5] =	ssyncadd.s32 $0xFFFFF800  }
0x185: {  	_ =	swait.ge [sflag:s5], $0x10  }
0x186: {  	[sflag:s5] =	ssyncset.done $0x0  }
0x187: {  	[sflag:s5] =	ssyncadd.s32 $0xFFFFFFF0  }
0x188: {  	_ =	swait.ge [sflag:s5], $0x800  }
0x189: {  	[sflag:s5] =	ssyncset.done $0x0  }
0x18a: {  	[sflag:s5] =	ssyncadd.s32 $0xFFFFF800  }
0x18b: {  	_ =	swait.ge [sflag:s5], $0x10  }
0x18c: {  	[sflag:s5] =	ssyncset.done $0x0  }
0x18d: {  	[sflag:s5] =	ssyncadd.s32 $0xFFFFFFF0  }
0x18e: {  	_ =	swait.ge [sflag:s5], $0x800  }
0x18f: {  	[sflag:s5] =	ssyncset.done $0x0  }
0x190: {  	[sflag:s5] =	ssyncadd.s32 $0xFFFFF800  }
0x191: {  	_ =	swait.ge [sflag:s5], $0x10  }
0x192: {  	s17 =	sadd.s32 $0x1, s17;
	s31 =	rddreg [dreg:$0x14]  }
0x193: {  	p0 =	sne.s32 s17, s31  }
.Ltmp1:
0x194: {  	_ = 	snop;
	(pc) =	sbr.rel @p0 .LBB2_1-.Ltmp1, $3  }
0x195: {  	_ =	sdelay $0x1  }
0x196: {  	[sflag:s5] =	ssyncset.done $0x0  }
0x197: {  	[sflag:s5] =	ssyncadd.s32 $0xFFFFFFF0  }
0x198: {  	_ =	sfence.sel $0x180000  }
0x199: {  	[bflag:$0x0] =	sbarrier.arrive $0xFFFF  }
0x19a: {  	_ =	strace $0x90000047  }
0x19b: {  	s0 =	stileid.u32;
	[bflag:$0x2] =	sbarrier.arrive $0xFFFF  }
0x19c: {  	p0 =	sne.s32 s0, $0x0;
	s0 =	rddreg [dreg:$0x5]  }
0x19d: {  	s0 =	sadd.s32 @!p0 $0x100000, s0  }
0x19e: {  	[sflag:s0] =	ssyncadd.tile.s32 @!p0 $0x1;
	_ =	shalt  }
.Lfunc_end2:
_tile_overlayer_lowered:
.L_overlay_start_2:
0x19f: {  	(tag) =	ssettag $0x2  }
0x1a0: {  	s0 =	rddreg [dreg:$0x0];
	s2 =	stileid.u32  }
0x1a1: {  	s1 =	rddreg [dreg:$0x1];
	p0 =	sne.s32 s2, $0x0  }
0x1a2: {  	s3 =	rddreg [dreg:$0x2];
	[bflag:$0x3] =	sbarrier.arrive $0xFFFF;
	s2 =	simm.s32 @!p0 $0x1C04  }
0x1a3: {  	[timem:s3], [sflag:s2] =	dma.local @!p0 [hbm:s0], s1  }
0x1a4: {  	s0 =	simm.s32 @!p0 $0x4  }
0x1a5: {  	_ =	swait.ge @!p0 [sflag:s0], s1  }
0x1a6: {  	s1 =	ssub.s32 @!p0 $0x0, s1;
	[sflag:s0] =	ssyncset.done @!p0 $0x0  }
0x1a7: {  	[sflag:s0] =	ssyncadd.s32 @!p0 s1  }
0x1a8: {  	[bflag:$0x3] =	sbarrier.arrive $0xFFFF  }
0x1a9: {  	_ =	shalt  }

</sc_bundles>
